<compile_context>
chip_gen: v7x
topology: tpu7x:2x2x1
jax: 0.10.2.dev20260603
libtpu: 0.0.44.dev20260713+nightly
codegen_flags: <defaults>
</compile_context>

<pallas_src>
import functools

import jax
import jax.numpy as jnp
from jax import lax
from jax.experimental import pallas as pl
from jax.experimental.pallas import tpu as pltpu
from jax.experimental.pallas import tpu_sc as plsc

N_NODES = 10000
N_FEAT = 128
N_EDGES = 320000
T_PAD = 10240

NC = 2
NS = 16
NW = NC * NS
LANES = 16

SLAB = 10240
PIECE_SIZES = (1280, 2560, 3200, 3200)
LAST_BASE = N_EDGES - SLAB
TAIL = N_EDGES - (NW - 1) * SLAB

CLAMP_MIN = 1e-05
CLAMP_MAX = 0.99999

ROW_BLOCK = 8192
N_ROW_BLOCKS = -(-N_NODES // ROW_BLOCK)


def _tc_scores_body(x_ref, w_ref, s_src_ref, s_dst_ref):
    res = lax.dot_general(
        w_ref[...],
        x_ref[...],
        (((1,), (1,)), ((), ())),
        preferred_element_type=jnp.float32,
        precision=lax.Precision.DEFAULT,
    )
    s_src_ref[...] = res[0:1, :]
    s_dst_ref[...] = res[1:2, :]


def _sc_edge_body(
    edge_ref, s1_ref, s2_ref, out_ref, ev, out_v, t_src, t_dst, sem, osem
):
    wid = lax.axis_index("s") * NC + lax.axis_index("c")
    is_last = wid == NW - 1
    base = jnp.where(is_last, LAST_BASE, wid * SLAB)

    c1 = pltpu.async_copy(s1_ref.at[0], t_src, sem)
    c2 = pltpu.async_copy(s2_ref.at[0], t_dst, sem)
    offs = [sum(PIECE_SIZES[:p]) for p in range(len(PIECE_SIZES))]
    pieces = [
        pltpu.async_copy(
            edge_ref.at[:, pl.ds(base + off, sz)],
            ev.at[:, off : off + sz],
            sem,
        )
        for off, sz in zip(offs, PIECE_SIZES)
    ]
    c1.wait()
    c2.wait()

    def make_step(lo, size):
        @plsc.parallel_loop(lo, lo + size, LANES, unroll=8)
        def _step(i):
            a = plsc.load_gather(t_src, [ev[0, pl.ds(i, LANES)]]) + plsc.load_gather(
                t_dst, [ev[1, pl.ds(i, LANES)]]
            )
            sig = 1.0 / (1.0 + jnp.exp(-a))
            out_v[pl.ds(i, LANES)] = jnp.clip(sig, CLAMP_MIN, CLAMP_MAX)

    wbs = []
    for p, (off, sz) in enumerate(zip(offs, PIECE_SIZES)):
        pieces[p].wait()
        make_step(off, sz)
        wbs.append(
            pltpu.async_copy(
                out_v.at[pl.ds(off, sz)],
                out_ref.at[pl.ds(base + off, sz)],
                osem,
            )
        )

    for wb in wbs:
        wb.wait()


@jax.jit
def kernel(x, edge_index, att_weight):
    w = att_weight.reshape(2, N_FEAT)
    s_src, s_dst = pl.pallas_call(
        _tc_scores_body,
        grid=(N_ROW_BLOCKS,),
        in_specs=[
            pl.BlockSpec((ROW_BLOCK, N_FEAT), lambda i: (i, 0)),
            pl.BlockSpec((2, N_FEAT), lambda i: (0, 0)),
        ],
        out_specs=[
            pl.BlockSpec((1, ROW_BLOCK), lambda i: (0, i)),
            pl.BlockSpec((1, ROW_BLOCK), lambda i: (0, i)),
        ],
        out_shape=[
            jax.ShapeDtypeStruct((1, T_PAD), jnp.float32),
            jax.ShapeDtypeStruct((1, T_PAD), jnp.float32),
        ],
    )(x, w)

    edges = edge_index.astype(jnp.int32)
    sc_call = pl.kernel(
        _sc_edge_body,
        out_type=jax.ShapeDtypeStruct((N_EDGES,), jnp.float32),
        mesh=plsc.VectorSubcoreMesh(
            core_axis_name="c", subcore_axis_name="s", num_cores=NC, num_subcores=NS
        ),
        compiler_params=pltpu.CompilerParams(needs_layout_passes=False),
        scratch_types=[
            pltpu.VMEM((2, SLAB), jnp.int32),
            pltpu.VMEM((SLAB,), jnp.float32),
            pltpu.VMEM((T_PAD,), jnp.float32),
            pltpu.VMEM((T_PAD,), jnp.float32),
            pltpu.SemaphoreType.DMA,
            pltpu.SemaphoreType.DMA,
        ],
    )
    return sc_call(edges, s_src, s_dst)

# --- scband reference (transcript-rebuilt; emitter-appended) ---
"""Pipeline reference for scband-attention-prob-36876589204229 (READ-ONLY COPY).

The authoritative reference and input builder live on the scoring server;
editing this copy changes nothing except your own understanding.
"""

import jax, jax.numpy as jnp
import numpy as np


def setup_inputs(seed: int = 0) -> dict:
    key = jax.random.key(seed)
    k1, k2, k3 = jax.random.split(key, 3)
    x = jax.random.normal(k1, (10000, 128), dtype=jnp.float32)
    edge_index = jax.random.randint(k2, (2, 320000), 0, 10000, dtype=jnp.int64)
    att_weight = jax.random.normal(k3, (128 * 2,), dtype=jnp.float32)
    return {"x": x, "edge_index": edge_index, "att_weight": att_weight}


def reference(x, edge_index, att_weight):
    clamp_min = 1e-05
    clamp_max = 0.99999
    src = jnp.take(x, edge_index[0, :], axis=0)
    dst = jnp.take(x, edge_index[1, :], axis=0)
    feat = jnp.concatenate((src, dst), axis=1)
    att = jnp.matmul(feat, att_weight)
    att = jax.nn.sigmoid(att)
    att = jnp.clip(att, clamp_min, clamp_max)
    return att

if __name__ == "__main__":
    import jax
    _d = setup_inputs()
    print(jax.jit(kernel)(*tuple(_d.values())))

</pallas_src>

<mosaic_0001>
#map = affine_map<(d0, d1) -> (0, 0)>
#map1 = affine_map<(d0, d1) -> (0)>
module attributes {stable_mosaic.version = 14 : i64} {
  func.func @_sc_edge_body(%arg0: i32, %arg1: i32, %arg2: memref<2x320000xi32, #tpu.memory_space<hbm>>, %arg3: memref<1x10240xf32, #tpu.memory_space<hbm>>, %arg4: memref<1x10240xf32, #tpu.memory_space<hbm>>, %arg5: memref<320000xf32, #tpu.memory_space<hbm>>, %arg6: memref<2x10240xi32, #tpu.memory_space<vmem>>, %arg7: memref<10240xf32, #tpu.memory_space<vmem>>, %arg8: memref<10240xf32, #tpu.memory_space<vmem>>, %arg9: memref<10240xf32, #tpu.memory_space<vmem>>, %arg10: memref<!tpu.dma_semaphore, #tpu.memory_space<semaphore_mem>>, %arg11: memref<!tpu.dma_semaphore, #tpu.memory_space<semaphore_mem>>) attributes {dimension_semantics = [#tpu.dimension_semantics<core_parallel>, #tpu.dimension_semantics<subcore_parallel>], iteration_bounds = array<i64: 2, 16>, scalar_prefetch = 0 : i64, scratch_operands = 6 : i64, tpu.core_type = #tpu.core_type<sc_vector_subcore>, window_params = [{transform_indices = #map}, {transform_indices = #map}, {transform_indices = #map}, {transform_indices = #map1}]} {
    %mul3A = arith.constant 2 : i32
    %mul3A_0 = arith.muli %arg1, %mul3A : i32
    %add3A = arith.addi %mul3A_0, %arg0 : i32
    %eq3A = arith.constant 31 : i32
    %eq3A_1 = arith.cmpi eq, %add3A, %eq3A : i32
    %mul3A_2 = arith.constant 10240 : i32
    %mul3A_3 = arith.muli %add3A, %mul3A_2 : i32
    %jit3A = arith.constant 309760 : i32
    %select_n3A = arith.select %eq3A_1, %jit3A, %mul3A_3 : i32
    %dma_start3A = arith.constant 0 : i32
    %dma_start3A_4 = arith.constant 0 : i32
    %dma_start3A_5 = tpu.memref_slice %arg3[%dma_start3A, %dma_start3A_4] : memref<1x10240xf32, #tpu.memory_space<hbm>> -> memref<1x10240xf32, #tpu.memory_space<hbm>>
    %dma_start3A_6 = tpu.memref_squeeze %dma_start3A_5 : memref<1x10240xf32, #tpu.memory_space<hbm>> -> memref<10240xf32, #tpu.memory_space<hbm>>
    %dma_start3A_7 = arith.constant 0 : i32
    %dma_start3A_8 = tpu.memref_slice %arg3[%dma_start3A, %dma_start3A_7] : memref<1x10240xf32, #tpu.memory_space<hbm>> -> memref<1x10240xf32, #tpu.memory_space<hbm>>
    %dma_start3A_9 = tpu.memref_squeeze %dma_start3A_8 : memref<1x10240xf32, #tpu.memory_space<hbm>> -> memref<10240xf32, #tpu.memory_space<hbm>>
    tpu.enqueue_dma source(%dma_start3A_9 : memref<10240xf32, #tpu.memory_space<hbm>>) target(%arg8 : memref<10240xf32, #tpu.memory_space<vmem>>) target_semaphore(%arg10 : memref<!tpu.dma_semaphore, #tpu.memory_space<semaphore_mem>>)
    %dma_start3A_10 = arith.constant 0 : i32
    %dma_start3A_11 = arith.constant 0 : i32
    %dma_start3A_12 = tpu.memref_slice %arg4[%dma_start3A_10, %dma_start3A_11] : memref<1x10240xf32, #tpu.memory_space<hbm>> -> memref<1x10240xf32, #tpu.memory_space<hbm>>
    %dma_start3A_13 = tpu.memref_squeeze %dma_start3A_12 : memref<1x10240xf32, #tpu.memory_space<hbm>> -> memref<10240xf32, #tpu.memory_space<hbm>>
    %dma_start3A_14 = arith.constant 0 : i32
    %dma_start3A_15 = tpu.memref_slice %arg4[%dma_start3A_10, %dma_start3A_14] : memref<1x10240xf32, #tpu.memory_space<hbm>> -> memref<1x10240xf32, #tpu.memory_space<hbm>>
    %dma_start3A_16 = tpu.memref_squeeze %dma_start3A_15 : memref<1x10240xf32, #tpu.memory_space<hbm>> -> memref<10240xf32, #tpu.memory_space<hbm>>
    tpu.enqueue_dma source(%dma_start3A_16 : memref<10240xf32, #tpu.memory_space<hbm>>) target(%arg9 : memref<10240xf32, #tpu.memory_space<vmem>>) target_semaphore(%arg10 : memref<!tpu.dma_semaphore, #tpu.memory_space<semaphore_mem>>)
    %add3A_17 = arith.constant 0 : i32
    %add3A_18 = arith.addi %select_n3A, %add3A_17 : i32
    %dma_start3A_19 = arith.constant 0 : i32
    %dma_start3A_20 = arith.constant 0 : i32
    %dma_start3A_21 = tpu.memref_slice %arg6[%dma_start3A_19, %dma_start3A_20] : memref<2x10240xi32, #tpu.memory_space<vmem>> -> memref<2x1280xi32, #tpu.memory_space<vmem>>
    %dma_start3A_22 = arith.constant 0 : i32
    %dma_start3A_23 = tpu.memref_slice %arg2[%dma_start3A_22, %add3A_18] : memref<2x320000xi32, #tpu.memory_space<hbm>> -> memref<2x1280xi32, #tpu.memory_space<hbm>>
    %dma_start3A_24 = arith.constant 0 : i32
    %dma_start3A_25 = arith.constant 0 : i32
    %dma_start3A_26 = tpu.memref_slice %arg6[%dma_start3A_24, %dma_start3A_25] : memref<2x10240xi32, #tpu.memory_space<vmem>> -> memref<2x1280xi32, #tpu.memory_space<vmem>>
    %dma_start3A_27 = arith.constant 0 : i32
    %dma_start3A_28 = tpu.memref_slice %arg2[%dma_start3A_27, %add3A_18] : memref<2x320000xi32, #tpu.memory_space<hbm>> -> memref<2x1280xi32, #tpu.memory_space<hbm>>
    tpu.enqueue_dma source(%dma_start3A_28 : memref<2x1280xi32, #tpu.memory_space<hbm>>) target(%dma_start3A_26 : memref<2x1280xi32, #tpu.memory_space<vmem>>) target_semaphore(%arg10 : memref<!tpu.dma_semaphore, #tpu.memory_space<semaphore_mem>>)
    %add3A_29 = arith.constant 1280 : i32
    %add3A_30 = arith.addi %select_n3A, %add3A_29 : i32
    %dma_start3A_31 = arith.constant 0 : i32
    %dma_start3A_32 = arith.constant 1280 : i32
    %dma_start3A_33 = tpu.memref_slice %arg6[%dma_start3A_31, %dma_start3A_32] : memref<2x10240xi32, #tpu.memory_space<vmem>> -> memref<2x2560xi32, #tpu.memory_space<vmem>>
    %dma_start3A_34 = arith.constant 0 : i32
    %dma_start3A_35 = tpu.memref_slice %arg2[%dma_start3A_34, %add3A_30] : memref<2x320000xi32, #tpu.memory_space<hbm>> -> memref<2x2560xi32, #tpu.memory_space<hbm>>
    %dma_start3A_36 = arith.constant 0 : i32
    %dma_start3A_37 = arith.constant 1280 : i32
    %dma_start3A_38 = tpu.memref_slice %arg6[%dma_start3A_36, %dma_start3A_37] : memref<2x10240xi32, #tpu.memory_space<vmem>> -> memref<2x2560xi32, #tpu.memory_space<vmem>>
    %dma_start3A_39 = arith.constant 0 : i32
    %dma_start3A_40 = tpu.memref_slice %arg2[%dma_start3A_39, %add3A_30] : memref<2x320000xi32, #tpu.memory_space<hbm>> -> memref<2x2560xi32, #tpu.memory_space<hbm>>
    tpu.enqueue_dma source(%dma_start3A_40 : memref<2x2560xi32, #tpu.memory_space<hbm>>) target(%dma_start3A_38 : memref<2x2560xi32, #tpu.memory_space<vmem>>) target_semaphore(%arg10 : memref<!tpu.dma_semaphore, #tpu.memory_space<semaphore_mem>>)
    %add3A_41 = arith.constant 3840 : i32
    %add3A_42 = arith.addi %select_n3A, %add3A_41 : i32
    %dma_start3A_43 = arith.constant 0 : i32
    %dma_start3A_44 = arith.constant 3840 : i32
    %dma_start3A_45 = tpu.memref_slice %arg6[%dma_start3A_43, %dma_start3A_44] : memref<2x10240xi32, #tpu.memory_space<vmem>> -> memref<2x3200xi32, #tpu.memory_space<vmem>>
    %dma_start3A_46 = arith.constant 0 : i32
    %dma_start3A_47 = tpu.memref_slice %arg2[%dma_start3A_46, %add3A_42] : memref<2x320000xi32, #tpu.memory_space<hbm>> -> memref<2x3200xi32, #tpu.memory_space<hbm>>
    %dma_start3A_48 = arith.constant 0 : i32
    %dma_start3A_49 = arith.constant 3840 : i32
    %dma_start3A_50 = tpu.memref_slice %arg6[%dma_start3A_48, %dma_start3A_49] : memref<2x10240xi32, #tpu.memory_space<vmem>> -> memref<2x3200xi32, #tpu.memory_space<vmem>>
    %dma_start3A_51 = arith.constant 0 : i32
    %dma_start3A_52 = tpu.memref_slice %arg2[%dma_start3A_51, %add3A_42] : memref<2x320000xi32, #tpu.memory_space<hbm>> -> memref<2x3200xi32, #tpu.memory_space<hbm>>
    tpu.enqueue_dma source(%dma_start3A_52 : memref<2x3200xi32, #tpu.memory_space<hbm>>) target(%dma_start3A_50 : memref<2x3200xi32, #tpu.memory_space<vmem>>) target_semaphore(%arg10 : memref<!tpu.dma_semaphore, #tpu.memory_space<semaphore_mem>>)
    %add3A_53 = arith.constant 7040 : i32
    %add3A_54 = arith.addi %select_n3A, %add3A_53 : i32
    %dma_start3A_55 = arith.constant 0 : i32
    %dma_start3A_56 = arith.constant 7040 : i32
    %dma_start3A_57 = tpu.memref_slice %arg6[%dma_start3A_55, %dma_start3A_56] : memref<2x10240xi32, #tpu.memory_space<vmem>> -> memref<2x3200xi32, #tpu.memory_space<vmem>>
    %dma_start3A_58 = arith.constant 0 : i32
    %dma_start3A_59 = tpu.memref_slice %arg2[%dma_start3A_58, %add3A_54] : memref<2x320000xi32, #tpu.memory_space<hbm>> -> memref<2x3200xi32, #tpu.memory_space<hbm>>
    %dma_start3A_60 = arith.constant 0 : i32
    %dma_start3A_61 = arith.constant 7040 : i32
    %dma_start3A_62 = tpu.memref_slice %arg6[%dma_start3A_60, %dma_start3A_61] : memref<2x10240xi32, #tpu.memory_space<vmem>> -> memref<2x3200xi32, #tpu.memory_space<vmem>>
    %dma_start3A_63 = arith.constant 0 : i32
    %dma_start3A_64 = tpu.memref_slice %arg2[%dma_start3A_63, %add3A_54] : memref<2x320000xi32, #tpu.memory_space<hbm>> -> memref<2x3200xi32, #tpu.memory_space<hbm>>
    tpu.enqueue_dma source(%dma_start3A_64 : memref<2x3200xi32, #tpu.memory_space<hbm>>) target(%dma_start3A_62 : memref<2x3200xi32, #tpu.memory_space<vmem>>) target_semaphore(%arg10 : memref<!tpu.dma_semaphore, #tpu.memory_space<semaphore_mem>>)
    %dma_wait3A = arith.constant 0 : i32
    %dma_wait3A_65 = arith.constant 0 : i32
    %dma_wait3A_66 = tpu.memref_slice %arg3[%dma_wait3A, %dma_wait3A_65] : memref<1x10240xf32, #tpu.memory_space<hbm>> -> memref<1x10240xf32, #tpu.memory_space<hbm>>
    %dma_wait3A_67 = tpu.memref_squeeze %dma_wait3A_66 : memref<1x10240xf32, #tpu.memory_space<hbm>> -> memref<10240xf32, #tpu.memory_space<hbm>>
    %dma_wait3A_68 = arith.constant 0 : i32
    %dma_wait3A_69 = tpu.memref_slice %arg3[%dma_wait3A, %dma_wait3A_68] : memref<1x10240xf32, #tpu.memory_space<hbm>> -> memref<1x10240xf32, #tpu.memory_space<hbm>>
    %dma_wait3A_70 = tpu.memref_squeeze %dma_wait3A_69 : memref<1x10240xf32, #tpu.memory_space<hbm>> -> memref<10240xf32, #tpu.memory_space<hbm>>
    tpu.wait_dma2 semaphore(%arg10 : memref<!tpu.dma_semaphore, #tpu.memory_space<semaphore_mem>>) src(%dma_wait3A_70 : memref<10240xf32, #tpu.memory_space<hbm>>) dst(%arg8 : memref<10240xf32, #tpu.memory_space<vmem>>)
    %dma_wait3A_71 = arith.constant 0 : i32
    %dma_wait3A_72 = arith.constant 0 : i32
    %dma_wait3A_73 = tpu.memref_slice %arg4[%dma_wait3A_71, %dma_wait3A_72] : memref<1x10240xf32, #tpu.memory_space<hbm>> -> memref<1x10240xf32, #tpu.memory_space<hbm>>
    %dma_wait3A_74 = tpu.memref_squeeze %dma_wait3A_73 : memref<1x10240xf32, #tpu.memory_space<hbm>> -> memref<10240xf32, #tpu.memory_space<hbm>>
    %dma_wait3A_75 = arith.constant 0 : i32
    %dma_wait3A_76 = tpu.memref_slice %arg4[%dma_wait3A_71, %dma_wait3A_75] : memref<1x10240xf32, #tpu.memory_space<hbm>> -> memref<1x10240xf32, #tpu.memory_space<hbm>>
    %dma_wait3A_77 = tpu.memref_squeeze %dma_wait3A_76 : memref<1x10240xf32, #tpu.memory_space<hbm>> -> memref<10240xf32, #tpu.memory_space<hbm>>
    tpu.wait_dma2 semaphore(%arg10 : memref<!tpu.dma_semaphore, #tpu.memory_space<semaphore_mem>>) src(%dma_wait3A_77 : memref<10240xf32, #tpu.memory_space<hbm>>) dst(%arg9 : memref<10240xf32, #tpu.memory_space<vmem>>)
    %dma_wait3A_78 = arith.constant 0 : i32
    %dma_wait3A_79 = arith.constant 0 : i32
    %dma_wait3A_80 = tpu.memref_slice %arg6[%dma_wait3A_78, %dma_wait3A_79] : memref<2x10240xi32, #tpu.memory_space<vmem>> -> memref<2x1280xi32, #tpu.memory_space<vmem>>
    %dma_wait3A_81 = arith.constant 0 : i32
    %dma_wait3A_82 = tpu.memref_slice %arg2[%dma_wait3A_81, %add3A_18] : memref<2x320000xi32, #tpu.memory_space<hbm>> -> memref<2x1280xi32, #tpu.memory_space<hbm>>
    %dma_wait3A_83 = arith.constant 0 : i32
    %dma_wait3A_84 = arith.constant 0 : i32
    %dma_wait3A_85 = tpu.memref_slice %arg6[%dma_wait3A_83, %dma_wait3A_84] : memref<2x10240xi32, #tpu.memory_space<vmem>> -> memref<2x1280xi32, #tpu.memory_space<vmem>>
    %dma_wait3A_86 = arith.constant 0 : i32
    %dma_wait3A_87 = tpu.memref_slice %arg2[%dma_wait3A_86, %add3A_18] : memref<2x320000xi32, #tpu.memory_space<hbm>> -> memref<2x1280xi32, #tpu.memory_space<hbm>>
    tpu.wait_dma2 semaphore(%arg10 : memref<!tpu.dma_semaphore, #tpu.memory_space<semaphore_mem>>) src(%dma_wait3A_87 : memref<2x1280xi32, #tpu.memory_space<hbm>>) dst(%dma_wait3A_85 : memref<2x1280xi32, #tpu.memory_space<vmem>>)
    %parallel_loop3A = arith.constant 0 : i32
    %parallel_loop3A_88 = arith.constant 1280 : i32
    %parallel_loop3A_89 = arith.constant 16 : i32
    scf.for %parallel_loop3A_185 = %parallel_loop3A to %parallel_loop3A_88 step %parallel_loop3A_89  : i32 {
      %parallel_loop3A_186 = arith.constant 0 : i32
      %parallel_loop3A_187 = arith.index_cast %parallel_loop3A_186 : i32 to index
      %parallel_loop3A_188 = arith.index_cast %parallel_loop3A_185 : i32 to index
      %parallel_loop3A_189 = tpu.vector_load %arg6[%parallel_loop3A_187, %parallel_loop3A_188] {strides = array<i32>} : memref<2x10240xi32, #tpu.memory_space<vmem>>, vector<16xi32>,
      %parallel_loop3A_190 = tpu.vector_load_idx %arg8[%parallel_loop3A_189] : memref<10240xf32, #tpu.memory_space<vmem>>[vector<16xi32>], vector<16xf32>,
      %parallel_loop3A_191 = arith.constant 1 : i32
      %parallel_loop3A_192 = arith.index_cast %parallel_loop3A_191 : i32 to index
      %parallel_loop3A_193 = arith.index_cast %parallel_loop3A_185 : i32 to index
      %parallel_loop3A_194 = tpu.vector_load %arg6[%parallel_loop3A_192, %parallel_loop3A_193] {strides = array<i32>} : memref<2x10240xi32, #tpu.memory_space<vmem>>, vector<16xi32>,
      %parallel_loop3A_195 = tpu.vector_load_idx %arg9[%parallel_loop3A_194] : memref<10240xf32, #tpu.memory_space<vmem>>[vector<16xi32>], vector<16xf32>,
      %parallel_loop3A_196 = arith.addf %parallel_loop3A_190, %parallel_loop3A_195 : vector<16xf32>
      %parallel_loop3A_197 = arith.constant 0.000000e+00 : f32
      %parallel_loop3A_198 = vector.broadcast %parallel_loop3A_197 : f32 to vector<16xf32>
      %parallel_loop3A_199 = arith.subf %parallel_loop3A_198, %parallel_loop3A_196 : vector<16xf32>
      %parallel_loop3A_200 = math.exp %parallel_loop3A_199 : vector<16xf32>
      %parallel_loop3A_201 = arith.constant 1.000000e+00 : f32
      %parallel_loop3A_202 = vector.broadcast %parallel_loop3A_201 : f32 to vector<16xf32>
      %parallel_loop3A_203 = arith.addf %parallel_loop3A_202, %parallel_loop3A_200 : vector<16xf32>
      %parallel_loop3A_204 = arith.constant 1.000000e+00 : f32
      %parallel_loop3A_205 = vector.broadcast %parallel_loop3A_204 : f32 to vector<16xf32>
      %parallel_loop3A_206 = arith.divf %parallel_loop3A_205, %parallel_loop3A_203 : vector<16xf32>
      %parallel_loop3A_207 = arith.constant 9.99999974E-6 : f32
      %parallel_loop3A_208 = arith.constant 0.999989986 : f32
      %parallel_loop3A_209 = vector.broadcast %parallel_loop3A_207 : f32 to vector<16xf32>
      %parallel_loop3A_210 = arith.maximumf %parallel_loop3A_209, %parallel_loop3A_206 : vector<16xf32>
      %parallel_loop3A_211 = vector.broadcast %parallel_loop3A_208 : f32 to vector<16xf32>
      %parallel_loop3A_212 = arith.minimumf %parallel_loop3A_211, %parallel_loop3A_210 : vector<16xf32>
      %parallel_loop3A_213 = arith.index_cast %parallel_loop3A_185 : i32 to index
      %parallel_loop3A_214 = tpu.vector_load %arg7[%parallel_loop3A_213] {strides = array<i32>} : memref<10240xf32, #tpu.memory_space<vmem>>, vector<16xf32>,
      tpu.vector_store %arg7[%parallel_loop3A_213], %parallel_loop3A_212 {strides = array<i32>} : memref<10240xf32, #tpu.memory_space<vmem>>, vector<16xf32>,
    } {sc.loop_unroll_factor = 8 : i64, sc.parallel_access}
    %add3A_90 = arith.constant 0 : i32
    %add3A_91 = arith.addi %select_n3A, %add3A_90 : i32
    %dma_start3A_92 = arith.constant 0 : i32
    %dma_start3A_93 = tpu.memref_slice %arg7[%dma_start3A_92] : memref<10240xf32, #tpu.memory_space<vmem>> -> memref<1280xf32, #tpu.memory_space<vmem>>
    %dma_start3A_94 = tpu.memref_slice %arg5[%add3A_91] : memref<320000xf32, #tpu.memory_space<hbm>> -> memref<1280xf32, #tpu.memory_space<hbm>>
    %dma_start3A_95 = tpu.memref_slice %arg5[%add3A_91] : memref<320000xf32, #tpu.memory_space<hbm>> -> memref<1280xf32, #tpu.memory_space<hbm>>
    %dma_start3A_96 = arith.constant 0 : i32
    %dma_start3A_97 = tpu.memref_slice %arg7[%dma_start3A_96] : memref<10240xf32, #tpu.memory_space<vmem>> -> memref<1280xf32, #tpu.memory_space<vmem>>
    tpu.enqueue_dma source(%dma_start3A_97 : memref<1280xf32, #tpu.memory_space<vmem>>) target(%dma_start3A_95 : memref<1280xf32, #tpu.memory_space<hbm>>) target_semaphore(%arg11 : memref<!tpu.dma_semaphore, #tpu.memory_space<semaphore_mem>>)
    %dma_wait3A_98 = arith.constant 0 : i32
    %dma_wait3A_99 = arith.constant 1280 : i32
    %dma_wait3A_100 = tpu.memref_slice %arg6[%dma_wait3A_98, %dma_wait3A_99] : memref<2x10240xi32, #tpu.memory_space<vmem>> -> memref<2x2560xi32, #tpu.memory_space<vmem>>
    %dma_wait3A_101 = arith.constant 0 : i32
    %dma_wait3A_102 = tpu.memref_slice %arg2[%dma_wait3A_101, %add3A_30] : memref<2x320000xi32, #tpu.memory_space<hbm>> -> memref<2x2560xi32, #tpu.memory_space<hbm>>
    %dma_wait3A_103 = arith.constant 0 : i32
    %dma_wait3A_104 = arith.constant 1280 : i32
    %dma_wait3A_105 = tpu.memref_slice %arg6[%dma_wait3A_103, %dma_wait3A_104] : memref<2x10240xi32, #tpu.memory_space<vmem>> -> memref<2x2560xi32, #tpu.memory_space<vmem>>
    %dma_wait3A_106 = arith.constant 0 : i32
    %dma_wait3A_107 = tpu.memref_slice %arg2[%dma_wait3A_106, %add3A_30] : memref<2x320000xi32, #tpu.memory_space<hbm>> -> memref<2x2560xi32, #tpu.memory_space<hbm>>
    tpu.wait_dma2 semaphore(%arg10 : memref<!tpu.dma_semaphore, #tpu.memory_space<semaphore_mem>>) src(%dma_wait3A_107 : memref<2x2560xi32, #tpu.memory_space<hbm>>) dst(%dma_wait3A_105 : memref<2x2560xi32, #tpu.memory_space<vmem>>)
    %parallel_loop3A_108 = arith.constant 1280 : i32
    %parallel_loop3A_109 = arith.constant 3840 : i32
    %parallel_loop3A_110 = arith.constant 16 : i32
    scf.for %parallel_loop3A_185 = %parallel_loop3A_108 to %parallel_loop3A_109 step %parallel_loop3A_110  : i32 {
      %parallel_loop3A_186 = arith.constant 0 : i32
      %parallel_loop3A_187 = arith.index_cast %parallel_loop3A_186 : i32 to index
      %parallel_loop3A_188 = arith.index_cast %parallel_loop3A_185 : i32 to index
      %parallel_loop3A_189 = tpu.vector_load %arg6[%parallel_loop3A_187, %parallel_loop3A_188] {strides = array<i32>} : memref<2x10240xi32, #tpu.memory_space<vmem>>, vector<16xi32>,
      %parallel_loop3A_190 = tpu.vector_load_idx %arg8[%parallel_loop3A_189] : memref<10240xf32, #tpu.memory_space<vmem>>[vector<16xi32>], vector<16xf32>,
      %parallel_loop3A_191 = arith.constant 1 : i32
      %parallel_loop3A_192 = arith.index_cast %parallel_loop3A_191 : i32 to index
      %parallel_loop3A_193 = arith.index_cast %parallel_loop3A_185 : i32 to index
      %parallel_loop3A_194 = tpu.vector_load %arg6[%parallel_loop3A_192, %parallel_loop3A_193] {strides = array<i32>} : memref<2x10240xi32, #tpu.memory_space<vmem>>, vector<16xi32>,
      %parallel_loop3A_195 = tpu.vector_load_idx %arg9[%parallel_loop3A_194] : memref<10240xf32, #tpu.memory_space<vmem>>[vector<16xi32>], vector<16xf32>,
      %parallel_loop3A_196 = arith.addf %parallel_loop3A_190, %parallel_loop3A_195 : vector<16xf32>
      %parallel_loop3A_197 = arith.constant 0.000000e+00 : f32
      %parallel_loop3A_198 = vector.broadcast %parallel_loop3A_197 : f32 to vector<16xf32>
      %parallel_loop3A_199 = arith.subf %parallel_loop3A_198, %parallel_loop3A_196 : vector<16xf32>
      %parallel_loop3A_200 = math.exp %parallel_loop3A_199 : vector<16xf32>
      %parallel_loop3A_201 = arith.constant 1.000000e+00 : f32
      %parallel_loop3A_202 = vector.broadcast %parallel_loop3A_201 : f32 to vector<16xf32>
      %parallel_loop3A_203 = arith.addf %parallel_loop3A_202, %parallel_loop3A_200 : vector<16xf32>
      %parallel_loop3A_204 = arith.constant 1.000000e+00 : f32
      %parallel_loop3A_205 = vector.broadcast %parallel_loop3A_204 : f32 to vector<16xf32>
      %parallel_loop3A_206 = arith.divf %parallel_loop3A_205, %parallel_loop3A_203 : vector<16xf32>
      %parallel_loop3A_207 = arith.constant 9.99999974E-6 : f32
      %parallel_loop3A_208 = arith.constant 0.999989986 : f32
      %parallel_loop3A_209 = vector.broadcast %parallel_loop3A_207 : f32 to vector<16xf32>
      %parallel_loop3A_210 = arith.maximumf %parallel_loop3A_209, %parallel_loop3A_206 : vector<16xf32>
      %parallel_loop3A_211 = vector.broadcast %parallel_loop3A_208 : f32 to vector<16xf32>
      %parallel_loop3A_212 = arith.minimumf %parallel_loop3A_211, %parallel_loop3A_210 : vector<16xf32>
      %parallel_loop3A_213 = arith.index_cast %parallel_loop3A_185 : i32 to index
      %parallel_loop3A_214 = tpu.vector_load %arg7[%parallel_loop3A_213] {strides = array<i32>} : memref<10240xf32, #tpu.memory_space<vmem>>, vector<16xf32>,
      tpu.vector_store %arg7[%parallel_loop3A_213], %parallel_loop3A_212 {strides = array<i32>} : memref<10240xf32, #tpu.memory_space<vmem>>, vector<16xf32>,
    } {sc.loop_unroll_factor = 8 : i64, sc.parallel_access}
    %add3A_111 = arith.constant 1280 : i32
    %add3A_112 = arith.addi %select_n3A, %add3A_111 : i32
    %dma_start3A_113 = arith.constant 1280 : i32
    %dma_start3A_114 = tpu.memref_slice %arg7[%dma_start3A_113] : memref<10240xf32, #tpu.memory_space<vmem>> -> memref<2560xf32, #tpu.memory_space<vmem>>
    %dma_start3A_115 = tpu.memref_slice %arg5[%add3A_112] : memref<320000xf32, #tpu.memory_space<hbm>> -> memref<2560xf32, #tpu.memory_space<hbm>>
    %dma_start3A_116 = tpu.memref_slice %arg5[%add3A_112] : memref<320000xf32, #tpu.memory_space<hbm>> -> memref<2560xf32, #tpu.memory_space<hbm>>
    %dma_start3A_117 = arith.constant 1280 : i32
    %dma_start3A_118 = tpu.memref_slice %arg7[%dma_start3A_117] : memref<10240xf32, #tpu.memory_space<vmem>> -> memref<2560xf32, #tpu.memory_space<vmem>>
    tpu.enqueue_dma source(%dma_start3A_118 : memref<2560xf32, #tpu.memory_space<vmem>>) target(%dma_start3A_116 : memref<2560xf32, #tpu.memory_space<hbm>>) target_semaphore(%arg11 : memref<!tpu.dma_semaphore, #tpu.memory_space<semaphore_mem>>)
    %dma_wait3A_119 = arith.constant 0 : i32
    %dma_wait3A_120 = arith.constant 3840 : i32
    %dma_wait3A_121 = tpu.memref_slice %arg6[%dma_wait3A_119, %dma_wait3A_120] : memref<2x10240xi32, #tpu.memory_space<vmem>> -> memref<2x3200xi32, #tpu.memory_space<vmem>>
    %dma_wait3A_122 = arith.constant 0 : i32
    %dma_wait3A_123 = tpu.memref_slice %arg2[%dma_wait3A_122, %add3A_42] : memref<2x320000xi32, #tpu.memory_space<hbm>> -> memref<2x3200xi32, #tpu.memory_space<hbm>>
    %dma_wait3A_124 = arith.constant 0 : i32
    %dma_wait3A_125 = arith.constant 3840 : i32
    %dma_wait3A_126 = tpu.memref_slice %arg6[%dma_wait3A_124, %dma_wait3A_125] : memref<2x10240xi32, #tpu.memory_space<vmem>> -> memref<2x3200xi32, #tpu.memory_space<vmem>>
    %dma_wait3A_127 = arith.constant 0 : i32
    %dma_wait3A_128 = tpu.memref_slice %arg2[%dma_wait3A_127, %add3A_42] : memref<2x320000xi32, #tpu.memory_space<hbm>> -> memref<2x3200xi32, #tpu.memory_space<hbm>>
    tpu.wait_dma2 semaphore(%arg10 : memref<!tpu.dma_semaphore, #tpu.memory_space<semaphore_mem>>) src(%dma_wait3A_128 : memref<2x3200xi32, #tpu.memory_space<hbm>>) dst(%dma_wait3A_126 : memref<2x3200xi32, #tpu.memory_space<vmem>>)
    %parallel_loop3A_129 = arith.constant 3840 : i32
    %parallel_loop3A_130 = arith.constant 7040 : i32
    %parallel_loop3A_131 = arith.constant 16 : i32
    scf.for %parallel_loop3A_185 = %parallel_loop3A_129 to %parallel_loop3A_130 step %parallel_loop3A_131  : i32 {
      %parallel_loop3A_186 = arith.constant 0 : i32
      %parallel_loop3A_187 = arith.index_cast %parallel_loop3A_186 : i32 to index
      %parallel_loop3A_188 = arith.index_cast %parallel_loop3A_185 : i32 to index
      %parallel_loop3A_189 = tpu.vector_load %arg6[%parallel_loop3A_187, %parallel_loop3A_188] {strides = array<i32>} : memref<2x10240xi32, #tpu.memory_space<vmem>>, vector<16xi32>,
      %parallel_loop3A_190 = tpu.vector_load_idx %arg8[%parallel_loop3A_189] : memref<10240xf32, #tpu.memory_space<vmem>>[vector<16xi32>], vector<16xf32>,
      %parallel_loop3A_191 = arith.constant 1 : i32
      %parallel_loop3A_192 = arith.index_cast %parallel_loop3A_191 : i32 to index
      %parallel_loop3A_193 = arith.index_cast %parallel_loop3A_185 : i32 to index
      %parallel_loop3A_194 = tpu.vector_load %arg6[%parallel_loop3A_192, %parallel_loop3A_193] {strides = array<i32>} : memref<2x10240xi32, #tpu.memory_space<vmem>>, vector<16xi32>,
      %parallel_loop3A_195 = tpu.vector_load_idx %arg9[%parallel_loop3A_194] : memref<10240xf32, #tpu.memory_space<vmem>>[vector<16xi32>], vector<16xf32>,
      %parallel_loop3A_196 = arith.addf %parallel_loop3A_190, %parallel_loop3A_195 : vector<16xf32>
      %parallel_loop3A_197 = arith.constant 0.000000e+00 : f32
      %parallel_loop3A_198 = vector.broadcast %parallel_loop3A_197 : f32 to vector<16xf32>
      %parallel_loop3A_199 = arith.subf %parallel_loop3A_198, %parallel_loop3A_196 : vector<16xf32>
      %parallel_loop3A_200 = math.exp %parallel_loop3A_199 : vector<16xf32>
      %parallel_loop3A_201 = arith.constant 1.000000e+00 : f32
      %parallel_loop3A_202 = vector.broadcast %parallel_loop3A_201 : f32 to vector<16xf32>
      %parallel_loop3A_203 = arith.addf %parallel_loop3A_202, %parallel_loop3A_200 : vector<16xf32>
      %parallel_loop3A_204 = arith.constant 1.000000e+00 : f32
      %parallel_loop3A_205 = vector.broadcast %parallel_loop3A_204 : f32 to vector<16xf32>
      %parallel_loop3A_206 = arith.divf %parallel_loop3A_205, %parallel_loop3A_203 : vector<16xf32>
      %parallel_loop3A_207 = arith.constant 9.99999974E-6 : f32
      %parallel_loop3A_208 = arith.constant 0.999989986 : f32
      %parallel_loop3A_209 = vector.broadcast %parallel_loop3A_207 : f32 to vector<16xf32>
      %parallel_loop3A_210 = arith.maximumf %parallel_loop3A_209, %parallel_loop3A_206 : vector<16xf32>
      %parallel_loop3A_211 = vector.broadcast %parallel_loop3A_208 : f32 to vector<16xf32>
      %parallel_loop3A_212 = arith.minimumf %parallel_loop3A_211, %parallel_loop3A_210 : vector<16xf32>
      %parallel_loop3A_213 = arith.index_cast %parallel_loop3A_185 : i32 to index
      %parallel_loop3A_214 = tpu.vector_load %arg7[%parallel_loop3A_213] {strides = array<i32>} : memref<10240xf32, #tpu.memory_space<vmem>>, vector<16xf32>,
      tpu.vector_store %arg7[%parallel_loop3A_213], %parallel_loop3A_212 {strides = array<i32>} : memref<10240xf32, #tpu.memory_space<vmem>>, vector<16xf32>,
    } {sc.loop_unroll_factor = 8 : i64, sc.parallel_access}
    %add3A_132 = arith.constant 3840 : i32
    %add3A_133 = arith.addi %select_n3A, %add3A_132 : i32
    %dma_start3A_134 = arith.constant 3840 : i32
    %dma_start3A_135 = tpu.memref_slice %arg7[%dma_start3A_134] : memref<10240xf32, #tpu.memory_space<vmem>> -> memref<3200xf32, #tpu.memory_space<vmem>>
    %dma_start3A_136 = tpu.memref_slice %arg5[%add3A_133] : memref<320000xf32, #tpu.memory_space<hbm>> -> memref<3200xf32, #tpu.memory_space<hbm>>
    %dma_start3A_137 = tpu.memref_slice %arg5[%add3A_133] : memref<320000xf32, #tpu.memory_space<hbm>> -> memref<3200xf32, #tpu.memory_space<hbm>>
    %dma_start3A_138 = arith.constant 3840 : i32
    %dma_start3A_139 = tpu.memref_slice %arg7[%dma_start3A_138] : memref<10240xf32, #tpu.memory_space<vmem>> -> memref<3200xf32, #tpu.memory_space<vmem>>
    tpu.enqueue_dma source(%dma_start3A_139 : memref<3200xf32, #tpu.memory_space<vmem>>) target(%dma_start3A_137 : memref<3200xf32, #tpu.memory_space<hbm>>) target_semaphore(%arg11 : memref<!tpu.dma_semaphore, #tpu.memory_space<semaphore_mem>>)
    %dma_wait3A_140 = arith.constant 0 : i32
    %dma_wait3A_141 = arith.constant 7040 : i32
    %dma_wait3A_142 = tpu.memref_slice %arg6[%dma_wait3A_140, %dma_wait3A_141] : memref<2x10240xi32, #tpu.memory_space<vmem>> -> memref<2x3200xi32, #tpu.memory_space<vmem>>
    %dma_wait3A_143 = arith.constant 0 : i32
    %dma_wait3A_144 = tpu.memref_slice %arg2[%dma_wait3A_143, %add3A_54] : memref<2x320000xi32, #tpu.memory_space<hbm>> -> memref<2x3200xi32, #tpu.memory_space<hbm>>
    %dma_wait3A_145 = arith.constant 0 : i32
    %dma_wait3A_146 = arith.constant 7040 : i32
    %dma_wait3A_147 = tpu.memref_slice %arg6[%dma_wait3A_145, %dma_wait3A_146] : memref<2x10240xi32, #tpu.memory_space<vmem>> -> memref<2x3200xi32, #tpu.memory_space<vmem>>
    %dma_wait3A_148 = arith.constant 0 : i32
    %dma_wait3A_149 = tpu.memref_slice %arg2[%dma_wait3A_148, %add3A_54] : memref<2x320000xi32, #tpu.memory_space<hbm>> -> memref<2x3200xi32, #tpu.memory_space<hbm>>
    tpu.wait_dma2 semaphore(%arg10 : memref<!tpu.dma_semaphore, #tpu.memory_space<semaphore_mem>>) src(%dma_wait3A_149 : memref<2x3200xi32, #tpu.memory_space<hbm>>) dst(%dma_wait3A_147 : memref<2x3200xi32, #tpu.memory_space<vmem>>)
    %parallel_loop3A_150 = arith.constant 7040 : i32
    %parallel_loop3A_151 = arith.constant 10240 : i32
    %parallel_loop3A_152 = arith.constant 16 : i32
    scf.for %parallel_loop3A_185 = %parallel_loop3A_150 to %parallel_loop3A_151 step %parallel_loop3A_152  : i32 {
      %parallel_loop3A_186 = arith.constant 0 : i32
      %parallel_loop3A_187 = arith.index_cast %parallel_loop3A_186 : i32 to index
      %parallel_loop3A_188 = arith.index_cast %parallel_loop3A_185 : i32 to index
      %parallel_loop3A_189 = tpu.vector_load %arg6[%parallel_loop3A_187, %parallel_loop3A_188] {strides = array<i32>} : memref<2x10240xi32, #tpu.memory_space<vmem>>, vector<16xi32>,
      %parallel_loop3A_190 = tpu.vector_load_idx %arg8[%parallel_loop3A_189] : memref<10240xf32, #tpu.memory_space<vmem>>[vector<16xi32>], vector<16xf32>,
      %parallel_loop3A_191 = arith.constant 1 : i32
      %parallel_loop3A_192 = arith.index_cast %parallel_loop3A_191 : i32 to index
      %parallel_loop3A_193 = arith.index_cast %parallel_loop3A_185 : i32 to index
      %parallel_loop3A_194 = tpu.vector_load %arg6[%parallel_loop3A_192, %parallel_loop3A_193] {strides = array<i32>} : memref<2x10240xi32, #tpu.memory_space<vmem>>, vector<16xi32>,
      %parallel_loop3A_195 = tpu.vector_load_idx %arg9[%parallel_loop3A_194] : memref<10240xf32, #tpu.memory_space<vmem>>[vector<16xi32>], vector<16xf32>,
      %parallel_loop3A_196 = arith.addf %parallel_loop3A_190, %parallel_loop3A_195 : vector<16xf32>
      %parallel_loop3A_197 = arith.constant 0.000000e+00 : f32
      %parallel_loop3A_198 = vector.broadcast %parallel_loop3A_197 : f32 to vector<16xf32>
      %parallel_loop3A_199 = arith.subf %parallel_loop3A_198, %parallel_loop3A_196 : vector<16xf32>
      %parallel_loop3A_200 = math.exp %parallel_loop3A_199 : vector<16xf32>
      %parallel_loop3A_201 = arith.constant 1.000000e+00 : f32
      %parallel_loop3A_202 = vector.broadcast %parallel_loop3A_201 : f32 to vector<16xf32>
      %parallel_loop3A_203 = arith.addf %parallel_loop3A_202, %parallel_loop3A_200 : vector<16xf32>
      %parallel_loop3A_204 = arith.constant 1.000000e+00 : f32
      %parallel_loop3A_205 = vector.broadcast %parallel_loop3A_204 : f32 to vector<16xf32>
      %parallel_loop3A_206 = arith.divf %parallel_loop3A_205, %parallel_loop3A_203 : vector<16xf32>
      %parallel_loop3A_207 = arith.constant 9.99999974E-6 : f32
      %parallel_loop3A_208 = arith.constant 0.999989986 : f32
      %parallel_loop3A_209 = vector.broadcast %parallel_loop3A_207 : f32 to vector<16xf32>
      %parallel_loop3A_210 = arith.maximumf %parallel_loop3A_209, %parallel_loop3A_206 : vector<16xf32>
      %parallel_loop3A_211 = vector.broadcast %parallel_loop3A_208 : f32 to vector<16xf32>
      %parallel_loop3A_212 = arith.minimumf %parallel_loop3A_211, %parallel_loop3A_210 : vector<16xf32>
      %parallel_loop3A_213 = arith.index_cast %parallel_loop3A_185 : i32 to index
      %parallel_loop3A_214 = tpu.vector_load %arg7[%parallel_loop3A_213] {strides = array<i32>} : memref<10240xf32, #tpu.memory_space<vmem>>, vector<16xf32>,
      tpu.vector_store %arg7[%parallel_loop3A_213], %parallel_loop3A_212 {strides = array<i32>} : memref<10240xf32, #tpu.memory_space<vmem>>, vector<16xf32>,
    } {sc.loop_unroll_factor = 8 : i64, sc.parallel_access}
    %add3A_153 = arith.constant 7040 : i32
    %add3A_154 = arith.addi %select_n3A, %add3A_153 : i32
    %dma_start3A_155 = arith.constant 7040 : i32
    %dma_start3A_156 = tpu.memref_slice %arg7[%dma_start3A_155] : memref<10240xf32, #tpu.memory_space<vmem>> -> memref<3200xf32, #tpu.memory_space<vmem>>
    %dma_start3A_157 = tpu.memref_slice %arg5[%add3A_154] : memref<320000xf32, #tpu.memory_space<hbm>> -> memref<3200xf32, #tpu.memory_space<hbm>>
    %dma_start3A_158 = tpu.memref_slice %arg5[%add3A_154] : memref<320000xf32, #tpu.memory_space<hbm>> -> memref<3200xf32, #tpu.memory_space<hbm>>
    %dma_start3A_159 = arith.constant 7040 : i32
    %dma_start3A_160 = tpu.memref_slice %arg7[%dma_start3A_159] : memref<10240xf32, #tpu.memory_space<vmem>> -> memref<3200xf32, #tpu.memory_space<vmem>>
    tpu.enqueue_dma source(%dma_start3A_160 : memref<3200xf32, #tpu.memory_space<vmem>>) target(%dma_start3A_158 : memref<3200xf32, #tpu.memory_space<hbm>>) target_semaphore(%arg11 : memref<!tpu.dma_semaphore, #tpu.memory_space<semaphore_mem>>)
    %dma_wait3A_161 = arith.constant 0 : i32
    %dma_wait3A_162 = tpu.memref_slice %arg7[%dma_wait3A_161] : memref<10240xf32, #tpu.memory_space<vmem>> -> memref<1280xf32, #tpu.memory_space<vmem>>
    %dma_wait3A_163 = tpu.memref_slice %arg5[%add3A_91] : memref<320000xf32, #tpu.memory_space<hbm>> -> memref<1280xf32, #tpu.memory_space<hbm>>
    %dma_wait3A_164 = tpu.memref_slice %arg5[%add3A_91] : memref<320000xf32, #tpu.memory_space<hbm>> -> memref<1280xf32, #tpu.memory_space<hbm>>
    %dma_wait3A_165 = arith.constant 0 : i32
    %dma_wait3A_166 = tpu.memref_slice %arg7[%dma_wait3A_165] : memref<10240xf32, #tpu.memory_space<vmem>> -> memref<1280xf32, #tpu.memory_space<vmem>>
    tpu.wait_dma2 semaphore(%arg11 : memref<!tpu.dma_semaphore, #tpu.memory_space<semaphore_mem>>) src(%dma_wait3A_166 : memref<1280xf32, #tpu.memory_space<vmem>>) dst(%dma_wait3A_164 : memref<1280xf32, #tpu.memory_space<hbm>>)
    %dma_wait3A_167 = arith.constant 1280 : i32
    %dma_wait3A_168 = tpu.memref_slice %arg7[%dma_wait3A_167] : memref<10240xf32, #tpu.memory_space<vmem>> -> memref<2560xf32, #tpu.memory_space<vmem>>
    %dma_wait3A_169 = tpu.memref_slice %arg5[%add3A_112] : memref<320000xf32, #tpu.memory_space<hbm>> -> memref<2560xf32, #tpu.memory_space<hbm>>
    %dma_wait3A_170 = tpu.memref_slice %arg5[%add3A_112] : memref<320000xf32, #tpu.memory_space<hbm>> -> memref<2560xf32, #tpu.memory_space<hbm>>
    %dma_wait3A_171 = arith.constant 1280 : i32
    %dma_wait3A_172 = tpu.memref_slice %arg7[%dma_wait3A_171] : memref<10240xf32, #tpu.memory_space<vmem>> -> memref<2560xf32, #tpu.memory_space<vmem>>
    tpu.wait_dma2 semaphore(%arg11 : memref<!tpu.dma_semaphore, #tpu.memory_space<semaphore_mem>>) src(%dma_wait3A_172 : memref<2560xf32, #tpu.memory_space<vmem>>) dst(%dma_wait3A_170 : memref<2560xf32, #tpu.memory_space<hbm>>)
    %dma_wait3A_173 = arith.constant 3840 : i32
    %dma_wait3A_174 = tpu.memref_slice %arg7[%dma_wait3A_173] : memref<10240xf32, #tpu.memory_space<vmem>> -> memref<3200xf32, #tpu.memory_space<vmem>>
    %dma_wait3A_175 = tpu.memref_slice %arg5[%add3A_133] : memref<320000xf32, #tpu.memory_space<hbm>> -> memref<3200xf32, #tpu.memory_space<hbm>>
    %dma_wait3A_176 = tpu.memref_slice %arg5[%add3A_133] : memref<320000xf32, #tpu.memory_space<hbm>> -> memref<3200xf32, #tpu.memory_space<hbm>>
    %dma_wait3A_177 = arith.constant 3840 : i32
    %dma_wait3A_178 = tpu.memref_slice %arg7[%dma_wait3A_177] : memref<10240xf32, #tpu.memory_space<vmem>> -> memref<3200xf32, #tpu.memory_space<vmem>>
    tpu.wait_dma2 semaphore(%arg11 : memref<!tpu.dma_semaphore, #tpu.memory_space<semaphore_mem>>) src(%dma_wait3A_178 : memref<3200xf32, #tpu.memory_space<vmem>>) dst(%dma_wait3A_176 : memref<3200xf32, #tpu.memory_space<hbm>>)
    %dma_wait3A_179 = arith.constant 7040 : i32
    %dma_wait3A_180 = tpu.memref_slice %arg7[%dma_wait3A_179] : memref<10240xf32, #tpu.memory_space<vmem>> -> memref<3200xf32, #tpu.memory_space<vmem>>
    %dma_wait3A_181 = tpu.memref_slice %arg5[%add3A_154] : memref<320000xf32, #tpu.memory_space<hbm>> -> memref<3200xf32, #tpu.memory_space<hbm>>
    %dma_wait3A_182 = tpu.memref_slice %arg5[%add3A_154] : memref<320000xf32, #tpu.memory_space<hbm>> -> memref<3200xf32, #tpu.memory_space<hbm>>
    %dma_wait3A_183 = arith.constant 7040 : i32
    %dma_wait3A_184 = tpu.memref_slice %arg7[%dma_wait3A_183] : memref<10240xf32, #tpu.memory_space<vmem>> -> memref<3200xf32, #tpu.memory_space<vmem>>
    tpu.wait_dma2 semaphore(%arg11 : memref<!tpu.dma_semaphore, #tpu.memory_space<semaphore_mem>>) src(%dma_wait3A_184 : memref<3200xf32, #tpu.memory_space<vmem>>) dst(%dma_wait3A_182 : memref<3200xf32, #tpu.memory_space<hbm>>)
    return
  }
}

module attributes {stable_mosaic.version = 14 : i64} {
  func.func @_tc_scores_body(%arg0: i32, %arg1: memref<8192x128xf32, #tpu.memory_space<vmem>>, %arg2: memref<2x128xf32, #tpu.memory_space<vmem>>, %arg3: memref<1x8192xf32, #tpu.memory_space<vmem>>, %arg4: memref<1x8192xf32, #tpu.memory_space<vmem>>) attributes {dimension_semantics = [#tpu.dimension_semantics<arbitrary>], iteration_bounds = array<i64: 2>, scalar_prefetch = 0 : i64, scratch_operands = 0 : i64, tpu.core_type = #tpu.core_type<tc>, window_params = [{transform_indices = @transform_0, window_bounds = array<i64: 8192, 128>}, {pipeline_mode = #tpu.pipeline_mode<synchronous>, transform_indices = @transform_1, window_bounds = array<i64: 2, 128>}, {transform_indices = @transform_2, window_bounds = array<i64: 1, 8192>}, {transform_indices = @transform_3, window_bounds = array<i64: 1, 8192>}]} {
    %get3A = arith.constant 0 : index
    %get3A_0 = arith.constant 0 : index
    %get3A_1 = vector.load %arg2[%get3A, %get3A_0] : memref<2x128xf32, #tpu.memory_space<vmem>>, vector<2x128xf32>
    %get3A_2 = arith.constant 0 : index
    %get3A_3 = arith.constant 0 : index
    %get3A_4 = vector.load %arg1[%get3A_2, %get3A_3] : memref<8192x128xf32, #tpu.memory_space<vmem>>, vector<8192x128xf32>
    %dot_general3A = arith.constant dense<0.000000e+00> : vector<2x8192xf32>
    %dot_general3A_5 = tpu.matmul %get3A_1, %get3A_4, %dot_general3A {dimension_numbers = #tpu.dot_dimension_numbers<[1], [1], [0], [0], [0, 0, 1, 0], [], []>, transpose_lhs_hint = false} : vector<2x128xf32>, vector<8192x128xf32>, vector<2x8192xf32> -> vector<2x8192xf32>
    %slice3A = vector.extract_strided_slice %dot_general3A_5 {offsets = [0, 0], sizes = [1, 8192], strides = [1, 1]} : vector<2x8192xf32> to vector<1x8192xf32>
    %swap3A = arith.constant 0 : index
    %swap3A_6 = arith.constant 0 : index
    %swap3A_7 = vector.load %arg3[%swap3A, %swap3A_6] : memref<1x8192xf32, #tpu.memory_space<vmem>>, vector<1x8192xf32>
    tpu.vector_store %arg3[%swap3A, %swap3A_6], %slice3A {strides = array<i32>} : memref<1x8192xf32, #tpu.memory_space<vmem>>, vector<1x8192xf32>,
    %slice3A_8 = vector.extract_strided_slice %dot_general3A_5 {offsets = [1, 0], sizes = [1, 8192], strides = [1, 1]} : vector<2x8192xf32> to vector<1x8192xf32>
    %swap3A_9 = arith.constant 0 : index
    %swap3A_10 = arith.constant 0 : index
    %swap3A_11 = vector.load %arg4[%swap3A_9, %swap3A_10] : memref<1x8192xf32, #tpu.memory_space<vmem>>, vector<1x8192xf32>
    tpu.vector_store %arg4[%swap3A_9, %swap3A_10], %slice3A_8 {strides = array<i32>} : memref<1x8192xf32, #tpu.memory_space<vmem>>, vector<1x8192xf32>,
    return
  }
  func.func @transform_0(%arg0: i32) -> (i32, i32) {
    %c0_i32 = arith.constant 0 : i32
    %c0_i32_0 = arith.constant 0 : i32
    return %arg0, %c0_i32 : i32, i32
  }
  func.func @transform_1(%arg0: i32) -> (i32, i32) {
    %c0_i32 = arith.constant 0 : i32
    %c0_i32_0 = arith.constant 0 : i32
    %c0_i32_1 = arith.constant 0 : i32
    return %c0_i32, %c0_i32_0 : i32, i32
  }
  func.func @transform_2(%arg0: i32) -> (i32, i32) {
    %c0_i32 = arith.constant 0 : i32
    %c0_i32_0 = arith.constant 0 : i32
    return %c0_i32, %arg0 : i32, i32
  }
  func.func @transform_3(%arg0: i32) -> (i32, i32) {
    %c0_i32 = arith.constant 0 : i32
    %c0_i32_0 = arith.constant 0 : i32
    return %c0_i32, %arg0 : i32, i32
  }
}

</mosaic_0001>

<sc_bundles>
// kernel: kernel.4.cloned.1.call-start
scs
__scs_entry_jumppad:
0x0: {  	(pc) =	sbr.rel $0x88, $3  }
0x1: {  	(tag) =	ssettag $0x0;
	lr =	simm.s32 $0x1  }
0x2: {  	[smem:$0x3F9E] =	sst lr;
	_ =	strace $0xD0000000  }
0x3: {  	_ = 	snop  }
0x4: {  	_ = 	snop  }
0x5: {  	_ = 	snop  }
0x6: {  	_ = 	snop  }
0x7: {  	_ = 	snop  }
__scs_overlays_trampoline_lowered:
0x8: {  	[smem:$0x3FAD] =	sst s0  }
0x9: {  	[smem:$0x3FAE] =	sst s1  }
0xa: {  	[smem:$0x3FAF] =	sst s2  }
0xb: {  	[smem:$0x3FB0] =	sst s3  }
0xc: {  	[smem:$0x3FB1] =	sst s4  }
0xd: {  	[smem:$0x3FB2] =	sst s5  }
0xe: {  	[smem:$0x3FB3] =	sst s6  }
0xf: {  	[smem:$0x3FB4] =	sst s7  }
0x10: {  	[smem:$0x3FB5] =	sst s8  }
0x11: {  	[smem:$0x3FB6] =	sst s9;
	s0 =	simm.s32 @!p0 $0x0  }
0x12: {  	s1 =	sld [smem:$0x3F9C];
	s0 =	simm.s32 @p0 $0x1  }
0x13: {  	[smem:$0x3FB7] =	sst s0;
	s0 =	simm.s32 @!p1 $0x0  }
0x14: {  	s2 =	sld [smem:$0x3F9B];
	s0 =	simm.s32 @p1 $0x1  }
0x15: {  	[smem:$0x3FB8] =	sst s0;
	s0 =	simm.s32 @!p2 $0x0  }
0x16: {  	s3 =	sld [smem:$0x3FDB];
	s0 =	simm.s32 @p2 $0x1  }
0x17: {  	s4 =	simm.s32 $0x1BF5;
	[smem:$0x3FBA] =	sst s0  }
0x18: {  	s0 =	sld [smem:$0x3F9D];
	_ =	swait.ge [sflag:s4], $0x0  }
0x19: {  	s7 =	sld [smem:$0x3F9E]  }
0x1a: {  	s8 =	sadd.s32 $0xFFFFE003, lr  }
0x1b: {  	s9 =	sadd.s32 $0xFFFFFEF7, lr;
	s5 =	simm.s32 $0xFFFFFFFF;
	p2 =	slt.u32 s8, $0xFFFFF086  }
0x1c: {  	p1 =	slt.u32 s9, $0xF7A;
	s5 =	simm.s32 @!p2 $0x0  }
0x1d: {  	s5 =	simm.s32 @p1 $0x1;
	p0 =	seq.s32 s7, s2  }
0x1e: {  	s7 =	smul.u32 @!p0 $0xF7A, s2;
	p2 =	seq.s32 @!p0 s5, $0x0  }
0x1f: {  	s9 =	smul.u32 $0xF7A, s1;
	s8 =	simm.s32 @!p0 $0x1BF5;
	p2 =	por !p2, p0  }
0x20: {  	[sflag:s8] =	ssyncset.s32 @!p0 $0xFFFFF086;
	s6 =	sadd.s32 @!p0 s3, s7;
	s7 =	simm.s32 @!p0 $0x108  }
0x21: {  	s3 =	sadd.s32 s3, s9;
	s6 =	sadd.s32 @!p0 $0x88, s6;
	s7 =	simm.s32 @p2 $0x1082  }
0x22: {  	[simem:s7], [sflag:s8] =	dma.local @!p0 [hbm:s6], $0xF7A  }
0x23: {  	s9 =	sor.u32 $0xD0000000, s2;
	s6 =	simm.s32 $0x108;
	_ =	swait.ge @!p0 [sflag:s8], $0x0  }
0x24: {  	s3 =	sadd.s32 $0x88, s3;
	s6 =	simm.s32 @!p1 $0x1082;
	[sflag:s4] =	ssyncset.s32 $0xFFFFF086  }
0x25: {  	[simem:s6], [sflag:s4] =	dma.local [hbm:s3], $0xF7A  }
0x26: {  	[smem:$0x3F9E] =	sst s1;
	(tag) =	ssettag s2;
	_ =	strace s9  }
0x27: {  	s1 =	sld [smem:$0x3FAE]  }
0x28: {  	s2 =	sld [smem:$0x3FAF]  }
0x29: {  	s4 =	sld [smem:$0x3FB1]  }
0x2a: {  	p0 =	seq.s32 s5, $0x0;
	s5 =	sld [smem:$0x3FB2]  }
0x2b: {  	s6 =	sld [smem:$0x3FB3]  }
0x2c: {  	s7 =	sld [smem:$0x3FB4]  }
0x2d: {  	s3 =	simm.s32 $0x108;
	s8 =	sld [smem:$0x3FB5]  }
0x2e: {  	s3 =	simm.s32 @!p0 $0x1082;
	s9 =	sld [smem:$0x3FB6]  }
0x2f: {  	lr =	sadd.s32 s0, s3;
	s0 =	sld [smem:$0x3FAD]  }
0x30: {  	s3 =	sld [smem:$0x3FB0]  }
0x31: {  	[smem:$0x3FB9] =	sst s10  }
0x32: {  	s10 =	sld [smem:$0x3FB7];
	_ =	sdelay $0x3  }
0x33: {  	p0 =	seq.s32 s10, $0x1;
	s10 =	sld [smem:$0x3FB9];
	_ =	sdelay $0x3  }
0x34: {  	[smem:$0x3FB9] =	sst s10  }
0x35: {  	s10 =	sld [smem:$0x3FB8];
	_ =	sdelay $0x3  }
0x36: {  	p1 =	seq.s32 s10, $0x1;
	s10 =	sld [smem:$0x3FB9];
	_ =	sdelay $0x3  }
0x37: {  	[smem:$0x3FB9] =	sst s10  }
0x38: {  	s10 =	sld [smem:$0x3FBA]  }
0x39: {  	_ = 	snop;
	(pc) =	sbr.ind lr, $3  }
0x3a: {  	_ = 	snop  }
0x3b: {  	_ = 	snop  }
0x3c: {  	p2 =	seq.s32 s10, $0x1;
	s10 =	sld [smem:$0x3FB9]  }
0x3d: {  	_ =	shalt  }
0x3e: {  	_ =	shalt  }
0x3f: {  	_ =	shalt  }
0x40: {  	_ =	shalt  }
0x41: {  	_ =	shalt  }
0x42: {  	_ =	shalt  }
0x43: {  	_ =	shalt  }
0x44: {  	_ =	shalt  }
0x45: {  	_ =	shalt  }
0x46: {  	_ =	shalt  }
0x47: {  	_ =	shalt  }
0x48: {  	_ =	shalt  }
0x49: {  	_ =	shalt  }
0x4a: {  	_ =	shalt  }
0x4b: {  	_ =	shalt  }
0x4c: {  	_ =	shalt  }
0x4d: {  	_ =	shalt  }
0x4e: {  	_ =	shalt  }
0x4f: {  	_ =	shalt  }
0x50: {  	_ =	shalt  }
0x51: {  	_ =	shalt  }
0x52: {  	_ =	shalt  }
0x53: {  	_ =	shalt  }
0x54: {  	_ =	shalt  }
0x55: {  	_ =	shalt  }
0x56: {  	_ =	shalt  }
0x57: {  	_ =	shalt  }
0x58: {  	_ =	shalt  }
0x59: {  	_ =	shalt  }
0x5a: {  	_ =	shalt  }
0x5b: {  	_ =	shalt  }
0x5c: {  	_ =	shalt  }
0x5d: {  	_ =	shalt  }
0x5e: {  	_ =	shalt  }
0x5f: {  	_ =	shalt  }
0x60: {  	_ =	shalt  }
0x61: {  	_ =	shalt  }
0x62: {  	_ =	shalt  }
0x63: {  	_ =	shalt  }
0x64: {  	_ =	shalt  }
0x65: {  	_ =	shalt  }
0x66: {  	_ =	shalt  }
0x67: {  	_ =	shalt  }
0x68: {  	_ =	shalt  }
0x69: {  	_ =	shalt  }
0x6a: {  	_ =	shalt  }
0x6b: {  	_ =	shalt  }
0x6c: {  	_ =	shalt  }
0x6d: {  	_ =	shalt  }
0x6e: {  	_ =	shalt  }
0x6f: {  	_ =	shalt  }
0x70: {  	_ =	shalt  }
0x71: {  	_ =	shalt  }
0x72: {  	_ =	shalt  }
0x73: {  	_ =	shalt  }
0x74: {  	_ =	shalt  }
0x75: {  	_ =	shalt  }
0x76: {  	_ =	shalt  }
0x77: {  	_ =	shalt  }
0x78: {  	_ =	shalt  }
0x79: {  	_ =	shalt  }
0x7a: {  	_ =	shalt  }
0x7b: {  	_ =	shalt  }
0x7c: {  	_ =	shalt  }
0x7d: {  	_ =	shalt  }
0x7e: {  	_ =	shalt  }
0x7f: {  	_ =	shalt  }
0x80: {  	_ =	shalt  }
0x81: {  	_ =	shalt  }
0x82: {  	_ =	shalt  }
0x83: {  	_ =	shalt  }
0x84: {  	_ =	shalt  }
0x85: {  	_ =	shalt  }
0x86: {  	_ =	shalt  }
0x87: {  	_ =	shalt  }
.Lfunc_end0:
.L_simem_size_0:
called_computation_lowered:
.L_overlay_start_0:
0x88: {  	s2 =	sld [smem:$0x3FD9]  }
0x89: {  	s3 =	sld [smem:$0x3FFE];
	_ =	sdelay $0x1  }
0x8a: {  	s1 =	srdreg.scid  }
0x8b: {  	s0 =	sand.u32 $0x1, s1  }
0x8c: {  	s17 =	sshll.u32 s0, $0xA;
	s2 =	sadd.s32 s3, s2  }
0x8d: {  	s2 =	sadd.s32 s2, s17  }
0x8e: {  	[smem:$0x3FC5] =	sst s2  }
0x8f: {  	_ = 	snop  }
0x90: {  	s2 =	sld [smem:$0x3FC8]  }
0x91: {  	s18 =	sld [smem:$0x3FD0];
	(tm) =	ssettm $0x1  }
0x92: {  	s4 =	sld [smem:$0x3FFB];
	_ =	sdelay $0x3  }
0x93: {  	_ =	strace s4  }
0x94: {  	s4 =	sld [smem:$0x3FFC];
	_ =	sdelay $0x3  }
0x95: {  	_ =	strace s4  }
0x96: {  	s4 =	sld [smem:$0x3FFD];
	_ =	sdelay $0x3  }
0x97: {  	_ =	strace s4  }
0x98: {  	_ =	strace $0x8FFFFFFF  }
0x99: {  	s19 =	sld [smem:$0x3FDB];
	_ =	sdelay $0x1  }
0x9a: {  	s5 =	simm.s32 $_scs_section_size  }
0x9b: {  	s6 =	simm.s32 $_size__tile_overlayer_lowered;
	s7 =	simm.s32 $_tile_overlayer_lowered  }
0x9c: {  	s22 =	simm.s32 $0x1BFF;
	s21 =	sshll.u32 s7, $0x1;
	s4 =	sadd.s32 s5, s19  }
0x9d: {  	s8 =	simm.s32 $0x0;
	s20 =	sshll.u32 s6, $0x1;
	s6 =	sadd.s32 s21, s4  }
0x9e: {  	[timem:s8], [sflag:s22] =	dma.local [hbm:s6], s20  }
0x9f: {  	_ =	swait.ge [sflag:s22], s20  }
0xa0: {  	s5 =	ssub.s32 $0x0, s20;
	[sflag:s22] =	ssyncset.done $0x0  }
0xa1: {  	[sflag:s22] =	ssyncadd.s32 s5;
	_ =	sdelay $0x1  }
0xa2: {  	s23 =	simm.s32 $0x1B8B  }
0xa3: {  	_ =	swait.ge [sflag:s23], $0x1  }
0xa4: {  	[sflag:s23] =	ssyncset.done $0x0  }
0xa5: {  	s25 =	simm.s32 $0x1B8E;
	s24 =	sld [smem:$0x3FFE];
	[sflag:s23] =	ssyncadd.s32 $0xFFFFFFFF  }
0xa6: {  	s26 =	simm.s32 $execute0_lowered;
	[smem:$0x3FD2] =	sst s25  }
0xa7: {  	s6 =	sshll.u32 s26, $0x1;
	_ =	strace $0x80000046;
	[dreg:$0x1] =	wrdreg $0xFFFFFFFF  }
0xa8: {  	s28 =	simm.s32 $_size_execute0_lowered;
	s4 =	sadd.s32 s4, s6;
	[dreg:$0x0] =	wrdreg $0x0  }
0xa9: {  	s6 =	sshll.u32 s28, $0x1;
	[dreg:$0x2] =	wrdreg s4  }
0xaa: {  	[dreg:$0x3] =	wrdreg s6  }
0xab: {  	[dreg:$0x4] =	wrdreg $0xC0  }
0xac: {  	_ =	task [dreg:s8], $0x5FFFF  }
0xad: {  	[dreg:$0x1] =	wrdreg $0xFFFFFFFF  }
0xae: {  	[dreg:$0x0] =	wrdreg $0x60  }
0xaf: {  	[dreg:$0x2] =	wrdreg s2  }
0xb0: {  	[dreg:$0x3] =	wrdreg s24  }
0xb1: {  	[dreg:$0x4] =	wrdreg s18  }
0xb2: {  	[dreg:$0x5] =	wrdreg $0x9  }
0xb3: {  	_ =	task.clear_ibuf [dreg:s8], $0x6FFFF;
	_ =	strace $0x90000046  }
0xb4: {  	s29 =	simm.s32 $0x9;
	_ =	strace $0x80000048  }
0xb5: {  	_ =	swait.ge [sflag:s29], $0x1  }
0xb6: {  	[sflag:s29] =	ssyncadd.s32 $0xFFFFFFFF  }
0xb7: {  	_ =	strace $0x90000048  }
0xb8: {  	_ =	sfence  }
0xb9: {  	s30 =	sld [smem:$0x0];
	_ =	sdelay $0x2  }
0xba: {  	s31 =	sshll.u32 s1, $0xD;
	s1 =	sshrl.u32 s1, $0x2  }
0xbb: {  	s3 =	sand.u32 $0x4000, s31;
	s1 =	sadd.s32 s1, s30  }
0xbc: {  	s0 =	sor.u32 s3, s0;
	s1 =	sshll.u32 s1, $0x11  }
0xbd: {  	s0 =	sor.u32 s1, s0  }
0xbe: {  	s0 =	sadd.s32 $0x8F2B, s0  }
0xbf: {  	[sflag:s0] =	ssyncadd.remote.s32 $0x1  }
0xc0: {  	_ =	sfence.sel $0xFFFF  }
0xc1: {  	[dreg:$0x0] =	wrdreg $0xFFFFFFFF;
	(pc) =	sbr.abs _section_cstart, $3  }
0xc2: {  	[dreg:$0x1] =	wrdreg $0xFFFFFFFF  }
0xc3: {  	_ =	task.clear_ibuf [dreg:s8], $0x2FFFF;
	_ =	strace $0x9FFFFFFF  }
0xc4: {  	(tm) =	ssettm $0x7FFFFFFF  }
0xc5: {  	_ =	shalt  }
tec
execute0_lowered:
.L_overlay_start_1:
0x0: {  	(tag) =	ssettag $0x1  }
0x1: {  	s8 =	rddreg [dreg:$0x0]  }
0x2: {  	s4 =	rddreg [dreg:$0x1];
	s1 =	srdreg.scid  }
0x3: {  	s0 =	stileid.u32;
	s12 =	rddreg [dreg:$0x2]  }
0x4: {  	s2 =	simm.s32 $0x0;
	s16 =	simm.s32 $0xA00;
	s17 =	simm.s32 $0x1E00  }
0x5: {  	s18 =	simm.s32 $0x3700;
	s19 =	simm.s32 $0x1;
	s20 =	simm.s32 $0x5000  }
0x6: {  	s21 =	simm.s32 $0x5500;
	s22 =	simm.s32 $0x5F00;
	s23 =	simm.s32 $0x6B80  }
0x7: {  	s24 =	simm.s32 $0x2;
	s5 =	sand.u32 $0x1, s1;
	s3 =	sshll.u32 s0, $0x1  }
0x8: {  	s25 =	simm.s32 $0x0;
	s1 =	rddreg [dreg:$0x3];
	s3 =	sor.u32 s5, s3  }
0x9: {  	[smem:$0x7FF] =	sst s2;
	s5 =	ssub.s32 $0x2, s5;
	s9 =	smul.u32 $0x2800, s3  }
0xa: {  	_ =	strace $0x80000047;
	p0 =	seq.s32 s3, $0x1F;
	s6 =	sshrl.u32 s5, $0x1  }
0xb: {  	s3 =	sadd.s32 $0xE00, s4;
	s13 =	ssub.s32 s5, s6;
	s9 =	simm.s32 @p0 $0x4BA00  }
0xc: {  	s4 =	sadd.s32 $0x1400, s4;
	s13 =	smax.u32 s13, $0x1;
	s7 =	sshrl.u32 s9, $0x7  }
0xd: {  	s29 =	sshrl.u32 s9, $0x2;
	s11 =	sadd.s32 $0xF00, s9;
	s14 =	sadd.s32 $0x1B80, s9  }
0xe: {  	s9 =	sshrl.u32 s9, $0x3;
	s10 =	sor.u32 $0xA, s7;
	s5 =	sadd.s32 s8, s29  }
0xf: {  	s31 =	sshrl.u32 s11, $0x2;
	s15 =	sshrl.u32 s14, $0x2;
	s9 =	sadd.s32 s12, s9  }
0x10: {  	s11 =	sshrl.u32 s11, $0x3;
	s14 =	sshrl.u32 s14, $0x3;
	s30 =	sshll.u32 s10, $0x5  }
0x11: {  	s7 =	sadd.s32 s8, s31;
	s10 =	sshll.u32 s10, $0x4;
	s11 =	sadd.s32 s12, s11  }
0x12: {  	s6 =	sadd.s32 s8, s30;
	s8 =	sadd.s32 s8, s15;
	s10 =	sadd.s32 s12, s10  }
0x13: {  	s12 =	sadd.s32 s12, s14;
	s14 =	simm.s32 $0x7800;
	s15 =	simm.s32 $0xA000  }
.LBB2_1:
0x14: {  	[tilespmem:s14], [sflag:$0x1] =	stream.linear.gather [hbm4b:s3+s2], $0x2800, $0x38;
	[tilespmem:$0xC800] =	vst v63  }
0x15: {  	_ = 	snop  }
0x16: {  	[tilespmem:s15], [sflag:$0x1] =	stream.linear.gather [hbm4b:s4+s2], $0x2800, $0x38;
	[tilespmem:$0xC800] =	vst v63  }
0x17: {  	_ = 	snop  }
0x18: {  	[tilespmem:s2], [sflag:$0x1] =	stream.linear.gather [hbm4b:s5+s2], $0xA00, $0x38;
	[tilespmem:$0xC800] =	vst v63  }
0x19: {  	_ = 	snop  }
0x1a: {  	[tilespmem:s16], [sflag:$0x1] =	stream.linear.gather [hbm4b:s6+s2], $0x1400, $0x38;
	[tilespmem:$0xC800] =	vst v63  }
0x1b: {  	_ = 	snop  }
0x1c: {  	[tilespmem:s17], [sflag:$0x1] =	stream.linear.gather [hbm4b:s7+s2], $0x1900, $0x38;
	[tilespmem:$0xC800] =	vst v63  }
0x1d: {  	_ = 	snop  }
0x1e: {  	[tilespmem:s18], [sflag:$0x1] =	stream.linear.gather [hbm4b:s8+s2], $0x1900, $0x38;
	[tilespmem:$0xC800] =	vst v63  }
0x1f: {  	_ =	swait.ge [sflag:s19], $0x2800  }
0x20: {  	[sflag:s19] =	ssyncset.done $0x0  }
0x21: {  	[sflag:s19] =	ssyncadd.s32 $0xFFFFD800  }
0x22: {  	_ =	swait.ge [sflag:s19], $0x2800  }
0x23: {  	[sflag:s19] =	ssyncset.done $0x0  }
0x24: {  	[sflag:s19] =	ssyncadd.s32 $0xFFFFD800  }
0x25: {  	_ =	swait.ge [sflag:s19], $0xA00  }
0x26: {  	[sflag:s19] =	ssyncset.done $0x0  }
0x27: {  	s26 =	simm.s32 $0x80;
	[sflag:s19] =	ssyncadd.s32 $0xFFFFF600  }
0x28: {  	v0 =	vld [tilespmem:s26+$0xFFFFFFF0]  }
0x29: {  	v1 =	vld [tilespmem:s26+$0x70]  }
0x2a: {  	v2 =	vld [tilespmem:s26+$0x0]  }
0x2b: {  	v3 =	vld [tilespmem:s26+$0xFFFFFF90]  }
0x2c: {  	v4 =	vld [tilespmem:s26+$0x10]  }
0x2d: {  	v5 =	vld [tilespmem:s26+$0xFFFFFFA0]  }
0x2e: {  	v6 =	vld [tilespmem:s26+$0x20]  }
0x2f: {  	v7 =	vld [tilespmem:s26+$0xFFFFFFB0]  }
0x30: {  	v8 =	vld [tilespmem:s26+$0x30]  }
0x31: {  	v0 =	vld.idx.msk [tilespmem:v0+s14+$0x0], $0xffff  }
0x32: {  	v1 =	vld.idx.msk [tilespmem:v1+s15+$0x0], $0xffff  }
0x33: {  	v9 =	vld [tilespmem:s26+$0xFFFFFFC0]  }
0x34: {  	v10 =	vld [tilespmem:s26+$0x40]  }
0x35: {  	v11 =	vld [tilespmem:s26+$0xFFFFFFD0]  }
0x36: {  	v12 =	vld [tilespmem:s26+$0x50]  }
0x37: {  	v13 =	vld [tilespmem:s26+$0xFFFFFFE0];
	v0 =	vadd.f32 v1, v0  }
0x38: {  	v14 =	vld [tilespmem:s26+$0xFFFFFF80]  }
0x39: {  	v2 =	vld.idx.msk [tilespmem:v2+s15+$0x0], $0xffff;
	v0 =	vsub.f32 $0.0e+00, v0  }
0x3a: {  	v3 =	vld.idx.msk [tilespmem:v3+s14+$0x0], $0xffff  }
0x3b: {  	v4 =	vld.idx.msk [tilespmem:v4+s15+$0x0], $0xffff;
	v0 =	vmul.f32 $1.442695020e+00, v0  }
0x3c: {  	v5 =	vld.idx.msk [tilespmem:v5+s14+$0x0], $0xffff  }
0x3d: {  	v1 =	vld [tilespmem:s26+$0x60];
	(erf) = vpow2.f32 v0  }
0x3e: {  	v0 =	vld.idx.msk [tilespmem:v6+s15+$0x0], $0xffff  }
0x3f: {  	v6 =	vld.idx.msk [tilespmem:v7+s14+$0x0], $0xffff  }
0x40: {  	v7 =	vld.idx.msk [tilespmem:v8+s15+$0x0], $0xffff  }
0x41: {  	v8 =	vld.idx.msk [tilespmem:v14+s14+$0x0], $0xffff  }
0x42: {  	v9 =	vld.idx.msk [tilespmem:v9+s14+$0x0], $0xffff;
	v3 =	vadd.f32 v4, v3  }
0x43: {  	v10 =	vld.idx.msk [tilespmem:v10+s15+$0x0], $0xffff  }
0x44: {  	v4 =	vld.idx.msk [tilespmem:v11+s14+$0x0], $0xffff;
	v3 =	vsub.f32 $0.0e+00, v3;
	v0 =	vadd.f32 v0, v5  }
0x45: {  	v11 =	vld.idx.msk [tilespmem:v13+s14+$0x0], $0xffff;
	v6 =	vadd.f32 v7, v6  }
0x46: {  	s31 =	simm.s32 $0x180;
	v3 =	vmul.f32 $1.442695020e+00, v3;
	v5 =	vld.idx.msk [tilespmem:v12+s15+$0x0], $0xffff;
	v2 =	vadd.f32 v2, v8;
	v0 =	vsub.f32 $0.0e+00, v0;
	v7 =	vpop (erf)  }
0x47: {  	v8 =	vld [tilespmem:s31+$0xFFFFFFF0];
	v6 =	vsub.f32 $0.0e+00, v6;
	v7 =	vadd.f32 $1.000000000e+00, v7  }
0x48: {  	(erf) = vpow2.f32 v3;
	v12 =	vld [tilespmem:s31+$0x70];
	v2 =	vsub.f32 $0.0e+00, v2;
	v0 =	vmul.f32 $1.442695020e+00, v0  }
0x49: {  	v9 =	vadd.f32 v10, v9;
	v1 =	vld.idx.msk [tilespmem:v1+s15+$0x0], $0xffff;
	v6 =	vmul.f32 $1.442695020e+00, v6;
	(erf) = vrcp.f32 v7  }
0x4a: {  	(erf) = vpow2.f32 v0;
	v0 =	vmul.f32 $1.442695020e+00, v2  }
0x4b: {  	v9 =	vsub.f32 $0.0e+00, v9;
	v2 =	vadd.f32 v5, v4;
	(erf) = vpow2.f32 v6  }
0x4c: {  	(erf) = vpow2.f32 v0  }
0x4d: {  	v15 =	vld [tilespmem:s31+$0xFFFFFFD0];
	v6 =	vmul.f32 $1.442695020e+00, v9;
	v2 =	vsub.f32 $0.0e+00, v2  }
0x4e: {  	v3 =	vld [tilespmem:s31+$0x0];
	v1 =	vadd.f32 v1, v11  }
0x4f: {  	(erf) = vpow2.f32 v6;
	v6 =	vld.idx.msk [tilespmem:v8+s14+$0x0], $0xffff;
	v2 =	vmul.f32 $1.442695020e+00, v2  }
0x50: {  	v1 =	vsub.f32 $0.0e+00, v1;
	v8 =	vld.idx.msk [tilespmem:v12+s15+$0x0], $0xffff  }
0x51: {  	v16 =	vld [tilespmem:s31+$0x50];
	v10 =	vpop (erf);
	(erf) = vpow2.f32 v2  }
0x52: {  	v17 =	vld [tilespmem:s31+$0x60];
	v1 =	vmul.f32 $1.442695020e+00, v1;
	v12 =	vpop (erf)  }
0x53: {  	v13 =	vld [tilespmem:s31+$0x40];
	v10 =	vadd.f32 $1.000000000e+00, v10;
	v14 =	vpop (erf)  }
0x54: {  	v7 =	vld [tilespmem:s31+$0xFFFFFF90];
	(erf) = vpow2.f32 v1;
	v1 =	vadd.f32 $1.000000000e+00, v14;
	v14 =	vpop (erf)  }
0x55: {  	v11 =	vld [tilespmem:s31+$0xFFFFFFC0];
	(erf) = vrcp.f32 v10;
	v6 =	vadd.f32 v8, v6;
	v8 =	vpop (erf)  }
0x56: {  	v4 =	vld [tilespmem:s31+$0x10];
	(erf) = vrcp.f32 v1;
	v1 =	vadd.f32 $1.000000000e+00, v8  }
0x57: {  	v5 =	vld [tilespmem:s31+$0xFFFFFFA0];
	v10 =	vadd.f32 $1.000000000e+00, v14  }
0x58: {  	v3 =	vld.idx.msk [tilespmem:v3+s15+$0x0], $0xffff  }
0x59: {  	v9 =	vld [tilespmem:s31+$0x20];
	v8 =	vpop (erf);
	(erf) = vrcp.f32 v10  }
0x5a: {  	v0 =	vld [tilespmem:s31+$0xFFFFFFB0];
	v6 =	vsub.f32 $0.0e+00, v6;
	(erf) = vrcp.f32 v1;
	v1 =	vpop (erf)  }
0x5b: {  	v2 =	vld [tilespmem:s31+$0x30];
	v8 =	vadd.f32 $1.000000000e+00, v8;
	v1 =	vadd.f32 $1.000000000e+00, v1  }
0x5c: {  	v7 =	vld.idx.msk [tilespmem:v7+s14+$0x0], $0xffff;
	v6 =	vmul.f32 $1.442695020e+00, v6  }
0x5d: {  	v10 =	vld [tilespmem:s31+$0xFFFFFF80];
	(erf) = vrcp.f32 v8  }
0x5e: {  	v4 =	vld.idx.msk [tilespmem:v4+s15+$0x0], $0xffff;
	(erf) = vpow2.f32 v6  }
0x5f: {  	v5 =	vld.idx.msk [tilespmem:v5+s14+$0x0], $0xffff;
	(erf) = vrcp.f32 v1;
	v1 =	vpop (erf)  }
0x60: {  	v14 =	vld [tilespmem:s31+$0xFFFFFFE0];
	v1 =	vadd.f32 $1.000000000e+00, v1  }
0x61: {  	v8 =	vmax.f32 v12, $9.999999740e-06;
	v6 =	vld.idx.msk [tilespmem:v9+s15+$0x0], $0xffff  }
0x62: {  	v18 =	vld.idx.msk [tilespmem:v0+s14+$0x0], $0xffff;
	(erf) = vrcp.f32 v1  }
0x63: {  	s26 =	simm.s32 $0x5040;
	v12 =	vld.idx.msk [tilespmem:v2+s15+$0x0], $0xffff;
	v2 =	vmin.f32 v8, $9.999899860e-01;
	v0 =	vpop (erf)  }
0x64: {  	[tilespmem:s26+$0x30] =	vst v2;
	v2 =	vld.idx.msk [tilespmem:v13+s15+$0x0], $0xffff;
	v8 =	vpop (erf)  }
0x65: {  	v4 =	vadd.f32 v4, v7;
	v19 =	vld.idx.msk [tilespmem:v10+s14+$0x0], $0xffff;
	v0 =	vmax.f32 v0, $9.999999740e-06;
	v8 =	vmax.f32 v8, $9.999999740e-06;
	v7 =	vpop (erf)  }
0x66: {  	v5 =	vadd.f32 v6, v5;
	v9 =	vmin.f32 v0, $9.999899860e-01;
	v0 =	vld.idx.msk [tilespmem:v11+s14+$0x0], $0xffff;
	v8 =	vmin.f32 v8, $9.999899860e-01;
	v10 =	vpop (erf)  }
0x67: {  	v1 =	vld.idx.msk [tilespmem:v15+s14+$0x0], $0xffff;
	v7 =	vmax.f32 v7, $9.999999740e-06;
	[tilespmem:s26+$0xFFFFFFD0] =	vst v9;
	v9 =	vsub.f32 $0.0e+00, v4;
	v6 =	vmax.f32 v10, $9.999999740e-06;
	v10 =	vpop (erf)  }
0x68: {  	v4 =	vld.idx.msk [tilespmem:v16+s15+$0x0], $0xffff;
	[tilespmem:s26+$0xFFFFFFE0] =	vst v8;
	v7 =	vmin.f32 v7, $9.999899860e-01;
	v6 =	vmin.f32 v6, $9.999899860e-01;
	v13 =	vmax.f32 v10, $9.999999740e-06  }
0x69: {  	[tilespmem:s26+$0xFFFFFFF0] =	vst v7;
	v8 =	vmul.f32 $1.442695020e+00, v9;
	v9 =	vsub.f32 $0.0e+00, v5;
	v10 =	vadd.f32 v12, v18;
	v5 =	vld.idx.msk [tilespmem:v14+s14+$0x0], $0xffff;
	v12 =	vpop (erf)  }
0x6a: {  	s28 =	simm.s32 $0x80;
	s29 =	simm.s32 $0x280;
	v11 =	vadd.f32 v3, v19;
	v7 =	vld.idx.msk [tilespmem:v17+s15+$0x0], $0xffff;
	[tilespmem:s26+$0xFFFFFFC0] =	vst v6;
	v12 =	vadd.f32 $1.000000000e+00, v12;
	v6 =	vmin.f32 v13, $9.999899860e-01;
	v3 =	vpop (erf)  }
.LBB2_2:
0x6b: {  	v13 =	vld [tilespmem:s29+$0xFFFFFFF0];
	v9 =	vmul.f32 $1.442695020e+00, v9;
	v10 =	vsub.f32 $0.0e+00, v10;
	(erf) = vpow2.f32 v8;
	[tilespmem:s26+$0x0] =	vst v6;
	v6 =	vpop (erf)  }
0x6c: {  	s28 =	sadd.s32 $0x80, s28;
	v0 =	vadd.f32 v2, v0;
	v8 =	vld [tilespmem:s29+$0x70];
	v11 =	vsub.f32 $0.0e+00, v11;
	(erf) = vrcp.f32 v12  }
0x6d: {  	v3 =	vmax.f32 v3, $9.999999740e-06;
	p0 =	slt.u32 s28, $0x480;
	v2 =	vld [tilespmem:s29+$0x0];
	v10 =	vmul.f32 $1.442695020e+00, v10;
	(erf) = vpow2.f32 v9  }
0x6e: {  	v0 =	vsub.f32 $0.0e+00, v0;
	v1 =	vadd.f32 v4, v1;
	v9 =	vld [tilespmem:s29+$0xFFFFFF90];
	v11 =	vmul.f32 $1.442695020e+00, v11  }
0x6f: {  	v3 =	vmin.f32 v3, $9.999899860e-01;
	v6 =	vmax.f32 v6, $9.999999740e-06;
	v4 =	vld [tilespmem:s29+$0x10];
	(erf) = vpow2.f32 v10  }
0x70: {  	v0 =	vmul.f32 $1.442695020e+00, v0;
	v1 =	vsub.f32 $0.0e+00, v1;
	v5 =	vadd.f32 v7, v5;
	v10 =	vld [tilespmem:s29+$0xFFFFFFA0];
	[tilespmem:s26+$0x10] =	vst v3  }
0x71: {  	v6 =	vmin.f32 v6, $9.999899860e-01;
	v3 =	vld [tilespmem:s29+$0x20];
	(erf) = vpow2.f32 v11  }
0x72: {  	v1 =	vmul.f32 $1.442695020e+00, v1;
	v5 =	vsub.f32 $0.0e+00, v5;
	v7 =	vld [tilespmem:s29+$0xFFFFFFB0];
	(erf) = vpow2.f32 v0;
	[tilespmem:s26+$0x20] =	vst v6  }
0x73: {  	v0 =	vld.idx.msk [tilespmem:v13+s14+$0x0], $0xffff  }
0x74: {  	v5 =	vmul.f32 $1.442695020e+00, v5;
	v6 =	vld.idx.msk [tilespmem:v8+s15+$0x0], $0xffff;
	v8 =	vpop (erf);
	(erf) = vpow2.f32 v1  }
0x75: {  	v1 =	vld [tilespmem:s29+$0x30];
	v8 =	vadd.f32 $1.000000000e+00, v8;
	v11 =	vpop (erf)  }
0x76: {  	v12 =	vld [tilespmem:s29+$0xFFFFFFC0];
	v15 =	vmax.f32 v11, $9.999999740e-06;
	v13 =	vpop (erf);
	(erf) = vpow2.f32 v5  }
0x77: {  	s26 =	sadd.s32 $0x80, s26;
	v5 =	vld [tilespmem:s29+$0x40];
	v13 =	vadd.f32 $1.000000000e+00, v13;
	v14 =	vmin.f32 v15, $9.999899860e-01;
	(erf) = vrcp.f32 v8  }
0x78: {  	v8 =	vld [tilespmem:s29+$0xFFFFFFD0];
	[tilespmem:s26+$0x30] =	vst v14;
	v11 =	vpop (erf)  }
0x79: {  	v14 =	vld [tilespmem:s29+$0x50];
	v16 =	vadd.f32 $1.000000000e+00, v11;
	(erf) = vrcp.f32 v13  }
0x7a: {  	v0 =	vadd.f32 v6, v0;
	v13 =	vld [tilespmem:s29+$0xFFFFFFE0];
	v6 =	vpop (erf)  }
0x7b: {  	v15 =	vld [tilespmem:s29+$0x60];
	v6 =	vadd.f32 $1.000000000e+00, v6;
	(erf) = vrcp.f32 v16;
	v11 =	vpop (erf)  }
0x7c: {  	v0 =	vsub.f32 $0.0e+00, v0;
	v16 =	vld [tilespmem:s29+$0xFFFFFF80];
	v11 =	vadd.f32 $1.000000000e+00, v11  }
0x7d: {  	v17 =	vld.idx.msk [tilespmem:v2+s15+$0x0], $0xffff;
	(erf) = vrcp.f32 v6;
	v2 =	vpop (erf)  }
0x7e: {  	v0 =	vmul.f32 $1.442695020e+00, v0;
	v6 =	vld.idx.msk [tilespmem:v9+s14+$0x0], $0xffff;
	v2 =	vadd.f32 $1.000000000e+00, v2;
	(erf) = vrcp.f32 v11  }
0x7f: {  	v4 =	vld.idx.msk [tilespmem:v4+s15+$0x0], $0xffff;
	v9 =	vpop (erf)  }
0x80: {  	v10 =	vld.idx.msk [tilespmem:v10+s14+$0x0], $0xffff;
	(erf) = vpow2.f32 v0;
	v0 =	vadd.f32 $1.000000000e+00, v9;
	v9 =	vpop (erf)  }
0x81: {  	v3 =	vld.idx.msk [tilespmem:v3+s15+$0x0], $0xffff;
	v11 =	vmax.f32 v9, $9.999999740e-06;
	(erf) = vrcp.f32 v2  }
0x82: {  	v7 =	vld.idx.msk [tilespmem:v7+s14+$0x0], $0xffff;
	v18 =	vmin.f32 v11, $9.999899860e-01;
	v9 =	vpop (erf);
	(erf) = vrcp.f32 v0  }
0x83: {  	v11 =	vld.idx.msk [tilespmem:v1+s15+$0x0], $0xffff;
	[tilespmem:s26+$0xFFFFFFD0] =	vst v18;
	v0 =	vmax.f32 v9, $9.999999740e-06  }
0x84: {  	v16 =	vld.idx.msk [tilespmem:v16+s14+$0x0], $0xffff;
	v1 =	vmin.f32 v0, $9.999899860e-01;
	v2 =	vpop (erf)  }
0x85: {  	v4 =	vadd.f32 v4, v6;
	v0 =	vld.idx.msk [tilespmem:v12+s14+$0x0], $0xffff;
	[tilespmem:s26+$0xFFFFFFE0] =	vst v1;
	v1 =	vmax.f32 v2, $9.999999740e-06  }
.Ltmp0:
0x86: {  	v2 =	vld.idx.msk [tilespmem:v5+s15+$0x0], $0xffff;
	v12 =	vmin.f32 v1, $9.999899860e-01;
	v6 =	vpop (erf);
	(pc) =	sbr.rel @p0 .LBB2_2-.Ltmp0, $4  }
0x87: {  	v9 =	vsub.f32 $0.0e+00, v4;
	v18 =	vadd.f32 v3, v10;
	v1 =	vld.idx.msk [tilespmem:v8+s14+$0x0], $0xffff;
	v6 =	vmax.f32 v6, $9.999999740e-06;
	[tilespmem:s26+$0xFFFFFFF0] =	vst v12;
	v5 =	vpop (erf)  }
0x88: {  	v4 =	vld.idx.msk [tilespmem:v14+s15+$0x0], $0xffff;
	v6 =	vmin.f32 v6, $9.999899860e-01;
	v14 =	vmax.f32 v5, $9.999999740e-06  }
0x89: {  	v8 =	vmul.f32 $1.442695020e+00, v9;
	v9 =	vsub.f32 $0.0e+00, v18;
	v10 =	vadd.f32 v11, v7;
	v5 =	vld.idx.msk [tilespmem:v13+s14+$0x0], $0xffff;
	v3 =	vpop (erf);
	[tilespmem:s26+$0xFFFFFFC0] =	vst v6  }
0x8a: {  	s29 =	sadd.s32 $0x100, s29;
	v11 =	vadd.f32 v17, v16;
	v6 =	vmin.f32 v14, $9.999899860e-01;
	v7 =	vld.idx.msk [tilespmem:v15+s15+$0x0], $0xffff;
	v12 =	vadd.f32 $1.000000000e+00, v3;
	v3 =	vpop (erf)  }
0x8b: {  	_ = 	snop  }
0x8c: {  	v9 =	vmul.f32 $1.442695020e+00, v9  }
0x8d: {  	v10 =	vsub.f32 $0.0e+00, v10;
	(erf) = vpow2.f32 v8;
	v0 =	vadd.f32 v2, v0  }
0x8e: {  	v2 =	vsub.f32 $0.0e+00, v11;
	(erf) = vrcp.f32 v12;
	v1 =	vadd.f32 v4, v1  }
0x8f: {  	v4 =	vmul.f32 $1.442695020e+00, v10;
	v0 =	vsub.f32 $0.0e+00, v0;
	v5 =	vadd.f32 v7, v5  }
0x90: {  	(erf) = vpow2.f32 v9;
	v2 =	vmul.f32 $1.442695020e+00, v2  }
0x91: {  	(erf) = vpow2.f32 v4;
	v0 =	vmul.f32 $1.442695020e+00, v0;
	v4 =	vsub.f32 $0.0e+00, v5  }
0x92: {  	v1 =	vsub.f32 $0.0e+00, v1;
	(erf) = vpow2.f32 v2  }
0x93: {  	(erf) = vpow2.f32 v0;
	v0 =	vmul.f32 $1.442695020e+00, v4  }
0x94: {  	v1 =	vmul.f32 $1.442695020e+00, v1;
	_ =	sdelay $0x1  }
0x95: {  	(erf) = vpow2.f32 v1  }
0x96: {  	(erf) = vpow2.f32 v0;
	v0 =	vpop (erf)  }
0x97: {  	v1 =	vpop (erf)  }
0x98: {  	v2 =	vpop (erf)  }
0x99: {  	v1 =	vadd.f32 $1.000000000e+00, v1;
	v4 =	vpop (erf)  }
0x9a: {  	v4 =	vadd.f32 $1.000000000e+00, v4;
	v5 =	vpop (erf)  }
0x9b: {  	(erf) = vrcp.f32 v1;
	v1 =	vadd.f32 $1.000000000e+00, v5;
	v5 =	vpop (erf)  }
0x9c: {  	(erf) = vrcp.f32 v4;
	v4 =	vadd.f32 $1.000000000e+00, v5;
	v5 =	vpop (erf)  }
0x9d: {  	(erf) = vrcp.f32 v1;
	v1 =	vadd.f32 $1.000000000e+00, v5  }
0x9e: {  	v5 =	vpop (erf);
	(erf) = vrcp.f32 v4  }
0x9f: {  	v4 =	vadd.f32 $1.000000000e+00, v5;
	v5 =	vpop (erf);
	(erf) = vrcp.f32 v1  }
0xa0: {  	v1 =	vadd.f32 $1.000000000e+00, v5  }
0xa1: {  	(erf) = vrcp.f32 v4  }
0xa2: {  	(erf) = vrcp.f32 v1;
	v1 =	vmax.f32 v3, $9.999999740e-06  }
0xa3: {  	v0 =	vmax.f32 v0, $9.999999740e-06;
	v1 =	vmin.f32 v1, $9.999899860e-01  }
0xa4: {  	v0 =	vmin.f32 v0, $9.999899860e-01;
	[tilespmem:s26+$0x10] =	vst v1;
	v1 =	vmax.f32 v2, $9.999999740e-06;
	v2 =	vpop (erf)  }
0xa5: {  	s31 =	sadd.s32 $0x80, s26;
	[tilespmem:s26+$0x20] =	vst v0;
	v0 =	vmin.f32 v1, $9.999899860e-01;
	v1 =	vmax.f32 v2, $9.999999740e-06;
	v2 =	vpop (erf)  }
0xa6: {  	[tilespmem:s31+$0x30] =	vst v0;
	v0 =	vmin.f32 v1, $9.999899860e-01;
	v1 =	vmax.f32 v2, $9.999999740e-06;
	v2 =	vpop (erf)  }
0xa7: {  	[tilespmem:s31+$0xFFFFFFD0] =	vst v0;
	v0 =	vmin.f32 v1, $9.999899860e-01;
	v1 =	vmax.f32 v2, $9.999999740e-06;
	v2 =	vpop (erf)  }
0xa8: {  	[tilespmem:s31+$0xFFFFFFE0] =	vst v0;
	v0 =	vmin.f32 v1, $9.999899860e-01;
	v1 =	vmax.f32 v2, $9.999999740e-06;
	v2 =	vpop (erf)  }
0xa9: {  	[tilespmem:s31+$0xFFFFFFF0] =	vst v0;
	v0 =	vmin.f32 v1, $9.999899860e-01;
	v1 =	vmax.f32 v2, $9.999999740e-06;
	_ =	sdelay $0x1  }
0xaa: {  	[tilespmem:s26+$0x0] =	vst v6;
	v2 =	vpop (erf)  }
0xab: {  	[tilespmem:s31+$0xFFFFFFC0] =	vst v0;
	v0 =	vmin.f32 v1, $9.999899860e-01;
	v2 =	vmax.f32 v2, $9.999999740e-06;
	v1 =	vpop (erf)  }
0xac: {  	[tilespmem:s31+$0x0] =	vst v0;
	v0 =	vmin.f32 v2, $9.999899860e-01;
	v1 =	vmax.f32 v1, $9.999999740e-06  }
0xad: {  	[tilespmem:s31+$0x10] =	vst v0;
	v0 =	vmin.f32 v1, $9.999899860e-01  }
0xae: {  	[tilespmem:s31+$0x20] =	vst v0  }
0xaf: {  	[hbm4b:s9+s2] =	stream.linear.scatter [tilespmem:s20], [sflag:$0x2], $0x500, $0x38;
	[tilespmem:$0xC800] =	vst v63  }
0xb0: {  	_ =	swait.ge [sflag:s19], $0x1400  }
0xb1: {  	[sflag:s19] =	ssyncset.done $0x0  }
0xb2: {  	s30 =	simm.s32 $0xAF0;
	[sflag:s19] =	ssyncadd.s32 $0xFFFFEC00  }
0xb3: {  	v0 =	vld [tilespmem:s30+$0xFFFFFF80]  }
0xb4: {  	v1 =	vld [tilespmem:s30+$0x0]  }
0xb5: {  	v2 =	vld [tilespmem:s30+$0xFFFFFF90]  }
0xb6: {  	v3 =	vld [tilespmem:s30+$0xFFFFFF20]  }
0xb7: {  	v4 =	vld [tilespmem:s30+$0xFFFFFFA0]  }
0xb8: {  	v5 =	vld [tilespmem:s30+$0xFFFFFF30]  }
0xb9: {  	v6 =	vld [tilespmem:s30+$0xFFFFFFB0]  }
0xba: {  	v7 =	vld [tilespmem:s30+$0xFFFFFF40]  }
0xbb: {  	v8 =	vld [tilespmem:s30+$0xFFFFFFC0]  }
0xbc: {  	v0 =	vld.idx.msk [tilespmem:v0+s14+$0x0], $0xffff  }
0xbd: {  	v1 =	vld.idx.msk [tilespmem:v1+s15+$0x0], $0xffff  }
0xbe: {  	v9 =	vld [tilespmem:s30+$0xFFFFFF50]  }
0xbf: {  	v10 =	vld [tilespmem:s30+$0xFFFFFFD0]  }
0xc0: {  	v11 =	vld [tilespmem:s30+$0xFFFFFF60]  }
0xc1: {  	v12 =	vld [tilespmem:s30+$0xFFFFFFE0]  }
0xc2: {  	v13 =	vld [tilespmem:s30+$0xFFFFFF70];
	v0 =	vadd.f32 v1, v0  }
0xc3: {  	v14 =	vld [tilespmem:s30+$0xFFFFFF10]  }
0xc4: {  	v2 =	vld.idx.msk [tilespmem:v2+s15+$0x0], $0xffff;
	v0 =	vsub.f32 $0.0e+00, v0  }
0xc5: {  	v3 =	vld.idx.msk [tilespmem:v3+s14+$0x0], $0xffff  }
0xc6: {  	v4 =	vld.idx.msk [tilespmem:v4+s15+$0x0], $0xffff;
	v0 =	vmul.f32 $1.442695020e+00, v0  }
0xc7: {  	v5 =	vld.idx.msk [tilespmem:v5+s14+$0x0], $0xffff  }
0xc8: {  	v1 =	vld [tilespmem:s30+$0xFFFFFFF0];
	(erf) = vpow2.f32 v0  }
0xc9: {  	v0 =	vld.idx.msk [tilespmem:v6+s15+$0x0], $0xffff  }
0xca: {  	v6 =	vld.idx.msk [tilespmem:v7+s14+$0x0], $0xffff  }
0xcb: {  	v7 =	vld.idx.msk [tilespmem:v8+s15+$0x0], $0xffff  }
0xcc: {  	v8 =	vld.idx.msk [tilespmem:v14+s14+$0x0], $0xffff  }
0xcd: {  	v9 =	vld.idx.msk [tilespmem:v9+s14+$0x0], $0xffff;
	v3 =	vadd.f32 v4, v3  }
0xce: {  	v10 =	vld.idx.msk [tilespmem:v10+s15+$0x0], $0xffff  }
0xcf: {  	v4 =	vld.idx.msk [tilespmem:v11+s14+$0x0], $0xffff;
	v3 =	vsub.f32 $0.0e+00, v3;
	v0 =	vadd.f32 v0, v5  }
0xd0: {  	v5 =	vld.idx.msk [tilespmem:v12+s15+$0x0], $0xffff;
	v6 =	vadd.f32 v7, v6  }
0xd1: {  	v3 =	vmul.f32 $1.442695020e+00, v3;
	v2 =	vadd.f32 v2, v8;
	v0 =	vsub.f32 $0.0e+00, v0;
	v7 =	vpop (erf)  }
0xd2: {  	v11 =	vld.idx.msk [tilespmem:v13+s14+$0x0], $0xffff;
	v7 =	vadd.f32 $1.000000000e+00, v7  }
0xd3: {  	s31 =	simm.s32 $0xBF0;
	(erf) = vpow2.f32 v3;
	v1 =	vld.idx.msk [tilespmem:v1+s15+$0x0], $0xffff;
	v2 =	vsub.f32 $0.0e+00, v2;
	v0 =	vmul.f32 $1.442695020e+00, v0  }
0xd4: {  	v9 =	vadd.f32 v10, v9;
	v8 =	vld [tilespmem:s31+$0xFFFFFF80];
	v6 =	vsub.f32 $0.0e+00, v6;
	(erf) = vrcp.f32 v7  }
0xd5: {  	v12 =	vld [tilespmem:s31+$0x0];
	(erf) = vpow2.f32 v0;
	v0 =	vmul.f32 $1.442695020e+00, v2;
	v2 =	vadd.f32 v5, v4  }
0xd6: {  	v9 =	vsub.f32 $0.0e+00, v9;
	v6 =	vmul.f32 $1.442695020e+00, v6  }
0xd7: {  	v15 =	vld [tilespmem:s31+$0xFFFFFF60];
	v2 =	vsub.f32 $0.0e+00, v2  }
0xd8: {  	v16 =	vld [tilespmem:s31+$0xFFFFFFE0];
	(erf) = vpow2.f32 v6;
	v6 =	vmul.f32 $1.442695020e+00, v9  }
0xd9: {  	v13 =	vld [tilespmem:s31+$0xFFFFFFD0];
	(erf) = vpow2.f32 v0;
	v2 =	vmul.f32 $1.442695020e+00, v2  }
0xda: {  	v3 =	vld [tilespmem:s31+$0xFFFFFF90];
	v1 =	vadd.f32 v1, v11;
	(erf) = vpow2.f32 v6  }
0xdb: {  	v7 =	vld [tilespmem:s31+$0xFFFFFF20];
	(erf) = vpow2.f32 v2  }
0xdc: {  	v1 =	vsub.f32 $0.0e+00, v1;
	v6 =	vld.idx.msk [tilespmem:v8+s14+$0x0], $0xffff  }
0xdd: {  	v8 =	vld.idx.msk [tilespmem:v12+s15+$0x0], $0xffff  }
0xde: {  	v10 =	vpop (erf);
	v1 =	vmul.f32 $1.442695020e+00, v1;
	v4 =	vld [tilespmem:s31+$0xFFFFFFA0]  }
0xdf: {  	v11 =	vld [tilespmem:s31+$0xFFFFFF50];
	v12 =	vpop (erf)  }
0xe0: {  	v5 =	vld [tilespmem:s31+$0xFFFFFF30];
	(erf) = vpow2.f32 v1;
	v14 =	vpop (erf)  }
0xe1: {  	v10 =	vadd.f32 $1.000000000e+00, v10;
	v0 =	vld [tilespmem:s31+$0xFFFFFF40];
	v1 =	vadd.f32 $1.000000000e+00, v14;
	v14 =	vpop (erf)  }
0xe2: {  	v18 =	vld.idx.msk [tilespmem:v3+s15+$0x0], $0xffff;
	v6 =	vadd.f32 v8, v6;
	v8 =	vpop (erf)  }
0xe3: {  	v9 =	vld [tilespmem:s31+$0xFFFFFFB0];
	(erf) = vrcp.f32 v10;
	v10 =	vadd.f32 $1.000000000e+00, v14;
	v17 =	vpop (erf)  }
0xe4: {  	v2 =	vld [tilespmem:s31+$0xFFFFFFC0];
	v6 =	vsub.f32 $0.0e+00, v6;
	(erf) = vrcp.f32 v1;
	v8 =	vadd.f32 $1.000000000e+00, v8;
	v3 =	vpop (erf)  }
0xe5: {  	v7 =	vld.idx.msk [tilespmem:v7+s14+$0x0], $0xffff;
	(erf) = vrcp.f32 v10;
	v17 =	vadd.f32 $1.000000000e+00, v17;
	v3 =	vadd.f32 $1.000000000e+00, v3  }
0xe6: {  	v4 =	vld.idx.msk [tilespmem:v4+s15+$0x0], $0xffff;
	v6 =	vmul.f32 $1.442695020e+00, v6;
	(erf) = vrcp.f32 v8  }
0xe7: {  	v10 =	vld [tilespmem:s31+$0xFFFFFF10];
	(erf) = vrcp.f32 v17  }
0xe8: {  	v5 =	vld.idx.msk [tilespmem:v5+s14+$0x0], $0xffff;
	(erf) = vpow2.f32 v6  }
0xe9: {  	v63 =	vld.idx.msk [tilespmem:v0+s14+$0x0], $0xffff;
	(erf) = vrcp.f32 v3;
	v3 =	vpop (erf)  }
0xea: {  	v14 =	vld [tilespmem:s31+$0xFFFFFF70];
	v3 =	vadd.f32 $1.000000000e+00, v3  }
0xeb: {  	v8 =	vmax.f32 v12, $9.999999740e-06;
	v6 =	vld.idx.msk [tilespmem:v9+s15+$0x0], $0xffff  }
0xec: {  	v1 =	vld [tilespmem:s31+$0xFFFFFFF0];
	(erf) = vrcp.f32 v3  }
0xed: {  	s26 =	simm.s32 $0x5570;
	v12 =	vld.idx.msk [tilespmem:v2+s15+$0x0], $0xffff;
	v2 =	vmin.f32 v8, $9.999899860e-01;
	v0 =	vpop (erf)  }
0xee: {  	[tilespmem:s26+$0x0] =	vst v2;
	v2 =	vld.idx.msk [tilespmem:v15+s14+$0x0], $0xffff;
	v8 =	vpop (erf)  }
0xef: {  	v4 =	vadd.f32 v4, v7;
	v19 =	vld.idx.msk [tilespmem:v10+s14+$0x0], $0xffff;
	v0 =	vmax.f32 v0, $9.999999740e-06;
	v8 =	vmax.f32 v8, $9.999999740e-06;
	v7 =	vpop (erf)  }
0xf0: {  	v5 =	vadd.f32 v6, v5;
	v9 =	vmin.f32 v0, $9.999899860e-01;
	v0 =	vld.idx.msk [tilespmem:v11+s14+$0x0], $0xffff;
	v8 =	vmin.f32 v8, $9.999899860e-01;
	v10 =	vpop (erf)  }
0xf1: {  	v3 =	vld.idx.msk [tilespmem:v13+s15+$0x0], $0xffff;
	v7 =	vmax.f32 v7, $9.999999740e-06;
	[tilespmem:s26+$0xFFFFFFA0] =	vst v9;
	v9 =	vsub.f32 $0.0e+00, v4;
	v6 =	vmax.f32 v10, $9.999999740e-06;
	v10 =	vpop (erf)  }
0xf2: {  	v4 =	vld.idx.msk [tilespmem:v16+s15+$0x0], $0xffff;
	[tilespmem:s26+$0xFFFFFFB0] =	vst v8;
	v7 =	vmin.f32 v7, $9.999899860e-01;
	v6 =	vmin.f32 v6, $9.999899860e-01;
	v13 =	vmax.f32 v10, $9.999999740e-06  }
0xf3: {  	[tilespmem:s26+$0xFFFFFFC0] =	vst v7;
	v8 =	vmul.f32 $1.442695020e+00, v9;
	v9 =	vsub.f32 $0.0e+00, v5;
	v10 =	vadd.f32 v12, v63;
	v5 =	vld.idx.msk [tilespmem:v14+s14+$0x0], $0xffff;
	v12 =	vpop (erf)  }
0xf4: {  	s28 =	simm.s32 $0x580;
	s29 =	simm.s32 $0xCF0;
	v11 =	vadd.f32 v18, v19;
	v7 =	vld.idx.msk [tilespmem:v1+s15+$0x0], $0xffff;
	[tilespmem:s26+$0xFFFFFF90] =	vst v6;
	v12 =	vadd.f32 $1.000000000e+00, v12;
	v6 =	vmin.f32 v13, $9.999899860e-01;
	v1 =	vpop (erf)  }
.LBB2_4:
0xf5: {  	v13 =	vld [tilespmem:s29+$0xFFFFFF80];
	v9 =	vmul.f32 $1.442695020e+00, v9;
	v10 =	vsub.f32 $0.0e+00, v10;
	(erf) = vpow2.f32 v8;
	[tilespmem:s26+$0xFFFFFFD0] =	vst v6;
	v6 =	vpop (erf)  }
0xf6: {  	s28 =	sadd.s32 $0x80, s28;
	v0 =	vadd.f32 v3, v0;
	v8 =	vld [tilespmem:s29+$0x0];
	v11 =	vsub.f32 $0.0e+00, v11;
	(erf) = vrcp.f32 v12  }
0xf7: {  	p0 =	slt.u32 s28, $0xE80;
	v3 =	vld [tilespmem:s29+$0xFFFFFF90];
	v10 =	vmul.f32 $1.442695020e+00, v10;
	(erf) = vpow2.f32 v9  }
0xf8: {  	v0 =	vsub.f32 $0.0e+00, v0;
	v2 =	vadd.f32 v4, v2;
	v9 =	vld [tilespmem:s29+$0xFFFFFF20];
	v11 =	vmul.f32 $1.442695020e+00, v11  }
0xf9: {  	v1 =	vmax.f32 v1, $9.999999740e-06;
	v6 =	vmax.f32 v6, $9.999999740e-06;
	v4 =	vld [tilespmem:s29+$0xFFFFFFA0];
	(erf) = vpow2.f32 v10  }
0xfa: {  	v0 =	vmul.f32 $1.442695020e+00, v0;
	v2 =	vsub.f32 $0.0e+00, v2;
	v5 =	vadd.f32 v7, v5;
	v10 =	vld [tilespmem:s29+$0xFFFFFF30]  }
0xfb: {  	v1 =	vmin.f32 v1, $9.999899860e-01;
	v6 =	vmin.f32 v6, $9.999899860e-01;
	v7 =	vld [tilespmem:s29+$0xFFFFFFB0];
	(erf) = vpow2.f32 v11  }
0xfc: {  	v2 =	vmul.f32 $1.442695020e+00, v2;
	v5 =	vsub.f32 $0.0e+00, v5;
	v11 =	vld [tilespmem:s29+$0xFFFFFF40];
	(erf) = vpow2.f32 v0;
	[tilespmem:s26+$0xFFFFFFE0] =	vst v1  }
0xfd: {  	v0 =	vld.idx.msk [tilespmem:v13+s14+$0x0], $0xffff;
	[tilespmem:s26+$0xFFFFFFF0] =	vst v6  }
0xfe: {  	v5 =	vmul.f32 $1.442695020e+00, v5;
	v1 =	vld.idx.msk [tilespmem:v8+s15+$0x0], $0xffff;
	v6 =	vpop (erf);
	(erf) = vpow2.f32 v2  }
0xff: {  	v2 =	vld [tilespmem:s29+$0xFFFFFFC0];
	v6 =	vadd.f32 $1.000000000e+00, v6;
	v8 =	vpop (erf)  }
0x100: {  	v12 =	vld [tilespmem:s29+$0xFFFFFF50];
	v15 =	vmax.f32 v8, $9.999999740e-06;
	v13 =	vpop (erf);
	(erf) = vpow2.f32 v5  }
0x101: {  	s26 =	sadd.s32 $0x80, s26;
	v5 =	vld [tilespmem:s29+$0xFFFFFFD0];
	v13 =	vadd.f32 $1.000000000e+00, v13;
	v14 =	vmin.f32 v15, $9.999899860e-01;
	(erf) = vrcp.f32 v6  }
0x102: {  	v6 =	vld [tilespmem:s29+$0xFFFFFF60];
	[tilespmem:s26+$0x0] =	vst v14;
	v8 =	vpop (erf)  }
0x103: {  	v14 =	vld [tilespmem:s29+$0xFFFFFFE0];
	v16 =	vadd.f32 $1.000000000e+00, v8;
	(erf) = vrcp.f32 v13  }
0x104: {  	v0 =	vadd.f32 v1, v0;
	v13 =	vld [tilespmem:s29+$0xFFFFFF70];
	v1 =	vpop (erf)  }
0x105: {  	v15 =	vld [tilespmem:s29+$0xFFFFFFF0];
	v18 =	vadd.f32 $1.000000000e+00, v1;
	(erf) = vrcp.f32 v16;
	v8 =	vpop (erf)  }
0x106: {  	v0 =	vsub.f32 $0.0e+00, v0;
	v16 =	vld [tilespmem:s29+$0xFFFFFF10];
	v19 =	vadd.f32 $1.000000000e+00, v8  }
0x107: {  	v17 =	vld.idx.msk [tilespmem:v3+s15+$0x0], $0xffff;
	(erf) = vrcp.f32 v18;
	v1 =	vpop (erf)  }
0x108: {  	v0 =	vmul.f32 $1.442695020e+00, v0;
	v3 =	vld.idx.msk [tilespmem:v9+s14+$0x0], $0xffff;
	v1 =	vadd.f32 $1.000000000e+00, v1;
	(erf) = vrcp.f32 v19  }
0x109: {  	v4 =	vld.idx.msk [tilespmem:v4+s15+$0x0], $0xffff;
	v8 =	vpop (erf)  }
0x10a: {  	v9 =	vld.idx.msk [tilespmem:v10+s14+$0x0], $0xffff;
	(erf) = vpow2.f32 v0;
	v0 =	vadd.f32 $1.000000000e+00, v8;
	v8 =	vpop (erf)  }
0x10b: {  	v7 =	vld.idx.msk [tilespmem:v7+s15+$0x0], $0xffff;
	v8 =	vmax.f32 v8, $9.999999740e-06;
	(erf) = vrcp.f32 v1  }
0x10c: {  	v1 =	vld.idx.msk [tilespmem:v11+s14+$0x0], $0xffff;
	v18 =	vmin.f32 v8, $9.999899860e-01;
	v10 =	vpop (erf);
	(erf) = vrcp.f32 v0  }
0x10d: {  	v11 =	vld.idx.msk [tilespmem:v2+s15+$0x0], $0xffff;
	[tilespmem:s26+$0xFFFFFFA0] =	vst v18;
	v0 =	vmax.f32 v10, $9.999999740e-06  }
0x10e: {  	v16 =	vld.idx.msk [tilespmem:v16+s14+$0x0], $0xffff;
	v2 =	vmin.f32 v0, $9.999899860e-01;
	v8 =	vpop (erf)  }
0x10f: {  	v4 =	vadd.f32 v4, v3;
	v0 =	vld.idx.msk [tilespmem:v12+s14+$0x0], $0xffff;
	[tilespmem:s26+$0xFFFFFFB0] =	vst v2;
	v2 =	vmax.f32 v8, $9.999999740e-06  }
.Ltmp1:
0x110: {  	v3 =	vld.idx.msk [tilespmem:v5+s15+$0x0], $0xffff;
	v12 =	vmin.f32 v2, $9.999899860e-01;
	v8 =	vpop (erf);
	(pc) =	sbr.rel @p0 .LBB2_4-.Ltmp1, $4  }
0x111: {  	v10 =	vsub.f32 $0.0e+00, v4;
	v7 =	vadd.f32 v7, v9;
	v2 =	vld.idx.msk [tilespmem:v6+s14+$0x0], $0xffff;
	v6 =	vmax.f32 v8, $9.999999740e-06;
	[tilespmem:s26+$0xFFFFFFC0] =	vst v12;
	v5 =	vpop (erf)  }
0x112: {  	v4 =	vld.idx.msk [tilespmem:v14+s15+$0x0], $0xffff;
	v6 =	vmin.f32 v6, $9.999899860e-01;
	v14 =	vmax.f32 v5, $9.999999740e-06  }
0x113: {  	v8 =	vmul.f32 $1.442695020e+00, v10;
	v9 =	vsub.f32 $0.0e+00, v7;
	v10 =	vadd.f32 v11, v1;
	v5 =	vld.idx.msk [tilespmem:v13+s14+$0x0], $0xffff;
	v1 =	vpop (erf);
	[tilespmem:s26+$0xFFFFFF90] =	vst v6  }
0x114: {  	s29 =	sadd.s32 $0x100, s29;
	v11 =	vadd.f32 v17, v16;
	v6 =	vmin.f32 v14, $9.999899860e-01;
	v7 =	vld.idx.msk [tilespmem:v15+s15+$0x0], $0xffff;
	v12 =	vadd.f32 $1.000000000e+00, v1;
	v1 =	vpop (erf)  }
0x115: {  	_ = 	snop  }
0x116: {  	v9 =	vmul.f32 $1.442695020e+00, v9  }
0x117: {  	v10 =	vsub.f32 $0.0e+00, v10;
	(erf) = vpow2.f32 v8;
	v0 =	vadd.f32 v3, v0  }
0x118: {  	v3 =	vsub.f32 $0.0e+00, v11;
	(erf) = vrcp.f32 v12;
	v2 =	vadd.f32 v4, v2  }
0x119: {  	v4 =	vmul.f32 $1.442695020e+00, v10;
	v0 =	vsub.f32 $0.0e+00, v0;
	v5 =	vadd.f32 v7, v5  }
0x11a: {  	(erf) = vpow2.f32 v9;
	v3 =	vmul.f32 $1.442695020e+00, v3  }
0x11b: {  	(erf) = vpow2.f32 v4;
	v0 =	vmul.f32 $1.442695020e+00, v0;
	v4 =	vsub.f32 $0.0e+00, v5  }
0x11c: {  	v2 =	vsub.f32 $0.0e+00, v2;
	(erf) = vpow2.f32 v3  }
0x11d: {  	(erf) = vpow2.f32 v0;
	v0 =	vmul.f32 $1.442695020e+00, v4  }
0x11e: {  	v2 =	vmul.f32 $1.442695020e+00, v2;
	_ =	sdelay $0x1  }
0x11f: {  	(erf) = vpow2.f32 v2  }
0x120: {  	(erf) = vpow2.f32 v0;
	v0 =	vpop (erf)  }
0x121: {  	v2 =	vpop (erf)  }
0x122: {  	v3 =	vpop (erf)  }
0x123: {  	v2 =	vadd.f32 $1.000000000e+00, v2;
	v4 =	vpop (erf)  }
0x124: {  	v4 =	vadd.f32 $1.000000000e+00, v4;
	v5 =	vpop (erf)  }
0x125: {  	(erf) = vrcp.f32 v2;
	v2 =	vadd.f32 $1.000000000e+00, v5;
	v5 =	vpop (erf)  }
0x126: {  	(erf) = vrcp.f32 v4;
	v4 =	vadd.f32 $1.000000000e+00, v5;
	v5 =	vpop (erf)  }
0x127: {  	(erf) = vrcp.f32 v2;
	v2 =	vadd.f32 $1.000000000e+00, v5  }
0x128: {  	v5 =	vpop (erf);
	(erf) = vrcp.f32 v4  }
0x129: {  	v4 =	vadd.f32 $1.000000000e+00, v5;
	v5 =	vpop (erf);
	(erf) = vrcp.f32 v2  }
0x12a: {  	v2 =	vadd.f32 $1.000000000e+00, v5;
	_ =	sdelay $0x1  }
0x12b: {  	v1 =	vmax.f32 v1, $9.999999740e-06;
	(erf) = vrcp.f32 v4  }
0x12c: {  	v1 =	vmin.f32 v1, $9.999899860e-01;
	v0 =	vmax.f32 v0, $9.999999740e-06;
	(erf) = vrcp.f32 v2  }
0x12d: {  	[tilespmem:s26+$0xFFFFFFE0] =	vst v1;
	v0 =	vmin.f32 v0, $9.999899860e-01;
	v1 =	vmax.f32 v3, $9.999999740e-06;
	v2 =	vpop (erf)  }
0x12e: {  	s31 =	sadd.s32 $0x80, s26;
	[tilespmem:s26+$0xFFFFFFF0] =	vst v0;
	v0 =	vmin.f32 v1, $9.999899860e-01;
	v1 =	vmax.f32 v2, $9.999999740e-06;
	v2 =	vpop (erf)  }
0x12f: {  	[tilespmem:s31+$0x0] =	vst v0;
	v0 =	vmin.f32 v1, $9.999899860e-01;
	v1 =	vmax.f32 v2, $9.999999740e-06;
	v2 =	vpop (erf)  }
0x130: {  	[tilespmem:s31+$0xFFFFFFA0] =	vst v0;
	v0 =	vmin.f32 v1, $9.999899860e-01;
	v1 =	vmax.f32 v2, $9.999999740e-06;
	v2 =	vpop (erf)  }
0x131: {  	[tilespmem:s31+$0xFFFFFFB0] =	vst v0;
	v0 =	vmin.f32 v1, $9.999899860e-01;
	v1 =	vmax.f32 v2, $9.999999740e-06;
	v2 =	vpop (erf)  }
0x132: {  	[tilespmem:s31+$0xFFFFFFC0] =	vst v0;
	v0 =	vmin.f32 v1, $9.999899860e-01;
	v1 =	vmax.f32 v2, $9.999999740e-06;
	_ =	sdelay $0x1  }
0x133: {  	[tilespmem:s26+$0xFFFFFFD0] =	vst v6;
	v2 =	vpop (erf)  }
0x134: {  	[tilespmem:s31+$0xFFFFFF90] =	vst v0;
	v0 =	vmin.f32 v1, $9.999899860e-01;
	v2 =	vmax.f32 v2, $9.999999740e-06;
	v1 =	vpop (erf)  }
0x135: {  	[tilespmem:s31+$0xFFFFFFD0] =	vst v0;
	v0 =	vmax.f32 v1, $9.999999740e-06;
	v1 =	vmin.f32 v2, $9.999899860e-01  }
0x136: {  	v0 =	vmin.f32 v0, $9.999899860e-01;
	[tilespmem:s31+$0xFFFFFFE0] =	vst v1  }
0x137: {  	[tilespmem:s31+$0xFFFFFFF0] =	vst v0  }
0x138: {  	[hbm4b:s10+s2] =	stream.linear.scatter [tilespmem:s21], [sflag:$0x2], $0xA00, $0x38;
	[tilespmem:$0xC800] =	vst v63  }
0x139: {  	_ =	swait.ge [sflag:s19], $0x1900  }
0x13a: {  	[sflag:s19] =	ssyncset.done $0x0  }
0x13b: {  	s30 =	simm.s32 $0x1EF0;
	[sflag:s19] =	ssyncadd.s32 $0xFFFFE700  }
0x13c: {  	v0 =	vld [tilespmem:s30+$0xFFFFFF80]  }
0x13d: {  	v1 =	vld [tilespmem:s30+$0x0]  }
0x13e: {  	v2 =	vld [tilespmem:s30+$0xFFFFFF90]  }
0x13f: {  	v3 =	vld [tilespmem:s30+$0xFFFFFF20]  }
0x140: {  	v4 =	vld [tilespmem:s30+$0xFFFFFFA0]  }
0x141: {  	v5 =	vld [tilespmem:s30+$0xFFFFFF30]  }
0x142: {  	v6 =	vld [tilespmem:s30+$0xFFFFFFB0]  }
0x143: {  	v7 =	vld [tilespmem:s30+$0xFFFFFF40]  }
0x144: {  	v8 =	vld [tilespmem:s30+$0xFFFFFFC0]  }
0x145: {  	v0 =	vld.idx.msk [tilespmem:v0+s14+$0x0], $0xffff  }
0x146: {  	v1 =	vld.idx.msk [tilespmem:v1+s15+$0x0], $0xffff  }
0x147: {  	v9 =	vld [tilespmem:s30+$0xFFFFFF50]  }
0x148: {  	v10 =	vld [tilespmem:s30+$0xFFFFFFD0]  }
0x149: {  	v11 =	vld [tilespmem:s30+$0xFFFFFF60]  }
0x14a: {  	v12 =	vld [tilespmem:s30+$0xFFFFFFE0]  }
0x14b: {  	v13 =	vld [tilespmem:s30+$0xFFFFFF70];
	v0 =	vadd.f32 v1, v0  }
0x14c: {  	v14 =	vld [tilespmem:s30+$0xFFFFFF10]  }
0x14d: {  	v2 =	vld.idx.msk [tilespmem:v2+s15+$0x0], $0xffff;
	v0 =	vsub.f32 $0.0e+00, v0  }
0x14e: {  	v3 =	vld.idx.msk [tilespmem:v3+s14+$0x0], $0xffff  }
0x14f: {  	v4 =	vld.idx.msk [tilespmem:v4+s15+$0x0], $0xffff;
	v0 =	vmul.f32 $1.442695020e+00, v0  }
0x150: {  	v5 =	vld.idx.msk [tilespmem:v5+s14+$0x0], $0xffff  }
0x151: {  	v1 =	vld [tilespmem:s30+$0xFFFFFFF0];
	(erf) = vpow2.f32 v0  }
0x152: {  	v0 =	vld.idx.msk [tilespmem:v6+s15+$0x0], $0xffff  }
0x153: {  	v6 =	vld.idx.msk [tilespmem:v7+s14+$0x0], $0xffff  }
0x154: {  	v7 =	vld.idx.msk [tilespmem:v8+s15+$0x0], $0xffff  }
0x155: {  	v8 =	vld.idx.msk [tilespmem:v14+s14+$0x0], $0xffff  }
0x156: {  	v9 =	vld.idx.msk [tilespmem:v9+s14+$0x0], $0xffff;
	v3 =	vadd.f32 v4, v3  }
0x157: {  	v10 =	vld.idx.msk [tilespmem:v10+s15+$0x0], $0xffff  }
0x158: {  	v4 =	vld.idx.msk [tilespmem:v11+s14+$0x0], $0xffff;
	v3 =	vsub.f32 $0.0e+00, v3;
	v0 =	vadd.f32 v0, v5  }
0x159: {  	v5 =	vld.idx.msk [tilespmem:v12+s15+$0x0], $0xffff;
	v6 =	vadd.f32 v7, v6  }
0x15a: {  	v3 =	vmul.f32 $1.442695020e+00, v3;
	v2 =	vadd.f32 v2, v8;
	v0 =	vsub.f32 $0.0e+00, v0;
	v7 =	vpop (erf)  }
0x15b: {  	v11 =	vld.idx.msk [tilespmem:v13+s14+$0x0], $0xffff;
	v7 =	vadd.f32 $1.000000000e+00, v7  }
0x15c: {  	s31 =	simm.s32 $0x1FF0;
	(erf) = vpow2.f32 v3;
	v1 =	vld.idx.msk [tilespmem:v1+s15+$0x0], $0xffff;
	v2 =	vsub.f32 $0.0e+00, v2;
	v0 =	vmul.f32 $1.442695020e+00, v0  }
0x15d: {  	v9 =	vadd.f32 v10, v9;
	v8 =	vld [tilespmem:s31+$0xFFFFFF80];
	v6 =	vsub.f32 $0.0e+00, v6;
	(erf) = vrcp.f32 v7  }
0x15e: {  	v12 =	vld [tilespmem:s31+$0x0];
	(erf) = vpow2.f32 v0;
	v0 =	vmul.f32 $1.442695020e+00, v2;
	v2 =	vadd.f32 v5, v4  }
0x15f: {  	v9 =	vsub.f32 $0.0e+00, v9;
	v6 =	vmul.f32 $1.442695020e+00, v6  }
0x160: {  	v15 =	vld [tilespmem:s31+$0xFFFFFF60];
	v2 =	vsub.f32 $0.0e+00, v2  }
0x161: {  	v16 =	vld [tilespmem:s31+$0xFFFFFFE0];
	(erf) = vpow2.f32 v6;
	v6 =	vmul.f32 $1.442695020e+00, v9  }
0x162: {  	v13 =	vld [tilespmem:s31+$0xFFFFFFD0];
	(erf) = vpow2.f32 v0;
	v2 =	vmul.f32 $1.442695020e+00, v2  }
0x163: {  	v3 =	vld [tilespmem:s31+$0xFFFFFF90];
	v1 =	vadd.f32 v1, v11;
	(erf) = vpow2.f32 v6  }
0x164: {  	v7 =	vld [tilespmem:s31+$0xFFFFFF20];
	(erf) = vpow2.f32 v2  }
0x165: {  	v1 =	vsub.f32 $0.0e+00, v1;
	v6 =	vld.idx.msk [tilespmem:v8+s14+$0x0], $0xffff  }
0x166: {  	v8 =	vld.idx.msk [tilespmem:v12+s15+$0x0], $0xffff  }
0x167: {  	v10 =	vpop (erf);
	v1 =	vmul.f32 $1.442695020e+00, v1;
	v4 =	vld [tilespmem:s31+$0xFFFFFFA0]  }
0x168: {  	v11 =	vld [tilespmem:s31+$0xFFFFFF50];
	v12 =	vpop (erf)  }
0x169: {  	v5 =	vld [tilespmem:s31+$0xFFFFFF30];
	(erf) = vpow2.f32 v1;
	v14 =	vpop (erf)  }
0x16a: {  	v10 =	vadd.f32 $1.000000000e+00, v10;
	v0 =	vld [tilespmem:s31+$0xFFFFFF40];
	v1 =	vadd.f32 $1.000000000e+00, v14;
	v14 =	vpop (erf)  }
0x16b: {  	v18 =	vld.idx.msk [tilespmem:v3+s15+$0x0], $0xffff;
	v6 =	vadd.f32 v8, v6;
	v8 =	vpop (erf)  }
0x16c: {  	v9 =	vld [tilespmem:s31+$0xFFFFFFB0];
	(erf) = vrcp.f32 v10;
	v10 =	vadd.f32 $1.000000000e+00, v14;
	v17 =	vpop (erf)  }
0x16d: {  	v2 =	vld [tilespmem:s31+$0xFFFFFFC0];
	v6 =	vsub.f32 $0.0e+00, v6;
	(erf) = vrcp.f32 v1;
	v8 =	vadd.f32 $1.000000000e+00, v8;
	v3 =	vpop (erf)  }
0x16e: {  	v7 =	vld.idx.msk [tilespmem:v7+s14+$0x0], $0xffff;
	(erf) = vrcp.f32 v10;
	v17 =	vadd.f32 $1.000000000e+00, v17;
	v3 =	vadd.f32 $1.000000000e+00, v3  }
0x16f: {  	v4 =	vld.idx.msk [tilespmem:v4+s15+$0x0], $0xffff;
	v6 =	vmul.f32 $1.442695020e+00, v6;
	(erf) = vrcp.f32 v8  }
0x170: {  	v10 =	vld [tilespmem:s31+$0xFFFFFF10];
	(erf) = vrcp.f32 v17  }
0x171: {  	v5 =	vld.idx.msk [tilespmem:v5+s14+$0x0], $0xffff;
	(erf) = vpow2.f32 v6  }
0x172: {  	v63 =	vld.idx.msk [tilespmem:v0+s14+$0x0], $0xffff;
	(erf) = vrcp.f32 v3;
	v3 =	vpop (erf)  }
0x173: {  	v14 =	vld [tilespmem:s31+$0xFFFFFF70];
	v3 =	vadd.f32 $1.000000000e+00, v3  }
0x174: {  	v8 =	vmax.f32 v12, $9.999999740e-06;
	v6 =	vld.idx.msk [tilespmem:v9+s15+$0x0], $0xffff  }
0x175: {  	v1 =	vld [tilespmem:s31+$0xFFFFFFF0];
	(erf) = vrcp.f32 v3  }
0x176: {  	s26 =	simm.s32 $0x5F70;
	v12 =	vld.idx.msk [tilespmem:v2+s15+$0x0], $0xffff;
	v2 =	vmin.f32 v8, $9.999899860e-01;
	v0 =	vpop (erf)  }
0x177: {  	[tilespmem:s26+$0x0] =	vst v2;
	v2 =	vld.idx.msk [tilespmem:v15+s14+$0x0], $0xffff;
	v8 =	vpop (erf)  }
0x178: {  	v4 =	vadd.f32 v4, v7;
	v19 =	vld.idx.msk [tilespmem:v10+s14+$0x0], $0xffff;
	v0 =	vmax.f32 v0, $9.999999740e-06;
	v8 =	vmax.f32 v8, $9.999999740e-06;
	v7 =	vpop (erf)  }
0x179: {  	v5 =	vadd.f32 v6, v5;
	v9 =	vmin.f32 v0, $9.999899860e-01;
	v0 =	vld.idx.msk [tilespmem:v11+s14+$0x0], $0xffff;
	v8 =	vmin.f32 v8, $9.999899860e-01;
	v10 =	vpop (erf)  }
0x17a: {  	v3 =	vld.idx.msk [tilespmem:v13+s15+$0x0], $0xffff;
	v7 =	vmax.f32 v7, $9.999999740e-06;
	[tilespmem:s26+$0xFFFFFFA0] =	vst v9;
	v9 =	vsub.f32 $0.0e+00, v4;
	v6 =	vmax.f32 v10, $9.999999740e-06;
	v10 =	vpop (erf)  }
0x17b: {  	v4 =	vld.idx.msk [tilespmem:v16+s15+$0x0], $0xffff;
	[tilespmem:s26+$0xFFFFFFB0] =	vst v8;
	v7 =	vmin.f32 v7, $9.999899860e-01;
	v6 =	vmin.f32 v6, $9.999899860e-01;
	v13 =	vmax.f32 v10, $9.999999740e-06  }
0x17c: {  	[tilespmem:s26+$0xFFFFFFC0] =	vst v7;
	v8 =	vmul.f32 $1.442695020e+00, v9;
	v9 =	vsub.f32 $0.0e+00, v5;
	v10 =	vadd.f32 v12, v63;
	v5 =	vld.idx.msk [tilespmem:v14+s14+$0x0], $0xffff;
	v12 =	vpop (erf)  }
0x17d: {  	s28 =	simm.s32 $0xF80;
	s29 =	simm.s32 $0x20F0;
	v11 =	vadd.f32 v18, v19;
	v7 =	vld.idx.msk [tilespmem:v1+s15+$0x0], $0xffff;
	[tilespmem:s26+$0xFFFFFF90] =	vst v6;
	v12 =	vadd.f32 $1.000000000e+00, v12;
	v6 =	vmin.f32 v13, $9.999899860e-01;
	v1 =	vpop (erf)  }
.LBB2_6:
0x17e: {  	v13 =	vld [tilespmem:s29+$0xFFFFFF80];
	v9 =	vmul.f32 $1.442695020e+00, v9;
	v10 =	vsub.f32 $0.0e+00, v10;
	(erf) = vpow2.f32 v8;
	[tilespmem:s26+$0xFFFFFFD0] =	vst v6;
	v6 =	vpop (erf)  }
0x17f: {  	s28 =	sadd.s32 $0x80, s28;
	v0 =	vadd.f32 v3, v0;
	v8 =	vld [tilespmem:s29+$0x0];
	v11 =	vsub.f32 $0.0e+00, v11;
	(erf) = vrcp.f32 v12  }
0x180: {  	p0 =	slt.u32 s28, $0x1B00;
	v3 =	vld [tilespmem:s29+$0xFFFFFF90];
	v10 =	vmul.f32 $1.442695020e+00, v10;
	(erf) = vpow2.f32 v9  }
0x181: {  	v0 =	vsub.f32 $0.0e+00, v0;
	v2 =	vadd.f32 v4, v2;
	v9 =	vld [tilespmem:s29+$0xFFFFFF20];
	v11 =	vmul.f32 $1.442695020e+00, v11  }
0x182: {  	v1 =	vmax.f32 v1, $9.999999740e-06;
	v6 =	vmax.f32 v6, $9.999999740e-06;
	v4 =	vld [tilespmem:s29+$0xFFFFFFA0];
	(erf) = vpow2.f32 v10  }
0x183: {  	v0 =	vmul.f32 $1.442695020e+00, v0;
	v2 =	vsub.f32 $0.0e+00, v2;
	v5 =	vadd.f32 v7, v5;
	v10 =	vld [tilespmem:s29+$0xFFFFFF30]  }
0x184: {  	v1 =	vmin.f32 v1, $9.999899860e-01;
	v6 =	vmin.f32 v6, $9.999899860e-01;
	v7 =	vld [tilespmem:s29+$0xFFFFFFB0];
	(erf) = vpow2.f32 v11  }
0x185: {  	v2 =	vmul.f32 $1.442695020e+00, v2;
	v5 =	vsub.f32 $0.0e+00, v5;
	v11 =	vld [tilespmem:s29+$0xFFFFFF40];
	(erf) = vpow2.f32 v0;
	[tilespmem:s26+$0xFFFFFFE0] =	vst v1  }
0x186: {  	v0 =	vld.idx.msk [tilespmem:v13+s14+$0x0], $0xffff;
	[tilespmem:s26+$0xFFFFFFF0] =	vst v6  }
0x187: {  	v5 =	vmul.f32 $1.442695020e+00, v5;
	v1 =	vld.idx.msk [tilespmem:v8+s15+$0x0], $0xffff;
	v6 =	vpop (erf);
	(erf) = vpow2.f32 v2  }
0x188: {  	v2 =	vld [tilespmem:s29+$0xFFFFFFC0];
	v6 =	vadd.f32 $1.000000000e+00, v6;
	v8 =	vpop (erf)  }
0x189: {  	v12 =	vld [tilespmem:s29+$0xFFFFFF50];
	v15 =	vmax.f32 v8, $9.999999740e-06;
	v13 =	vpop (erf);
	(erf) = vpow2.f32 v5  }
0x18a: {  	s26 =	sadd.s32 $0x80, s26;
	v5 =	vld [tilespmem:s29+$0xFFFFFFD0];
	v13 =	vadd.f32 $1.000000000e+00, v13;
	v14 =	vmin.f32 v15, $9.999899860e-01;
	(erf) = vrcp.f32 v6  }
0x18b: {  	v6 =	vld [tilespmem:s29+$0xFFFFFF60];
	[tilespmem:s26+$0x0] =	vst v14;
	v8 =	vpop (erf)  }
0x18c: {  	v14 =	vld [tilespmem:s29+$0xFFFFFFE0];
	v16 =	vadd.f32 $1.000000000e+00, v8;
	(erf) = vrcp.f32 v13  }
0x18d: {  	v0 =	vadd.f32 v1, v0;
	v13 =	vld [tilespmem:s29+$0xFFFFFF70];
	v1 =	vpop (erf)  }
0x18e: {  	v15 =	vld [tilespmem:s29+$0xFFFFFFF0];
	v18 =	vadd.f32 $1.000000000e+00, v1;
	(erf) = vrcp.f32 v16;
	v8 =	vpop (erf)  }
0x18f: {  	v0 =	vsub.f32 $0.0e+00, v0;
	v16 =	vld [tilespmem:s29+$0xFFFFFF10];
	v19 =	vadd.f32 $1.000000000e+00, v8  }
0x190: {  	v17 =	vld.idx.msk [tilespmem:v3+s15+$0x0], $0xffff;
	(erf) = vrcp.f32 v18;
	v1 =	vpop (erf)  }
0x191: {  	v0 =	vmul.f32 $1.442695020e+00, v0;
	v3 =	vld.idx.msk [tilespmem:v9+s14+$0x0], $0xffff;
	v1 =	vadd.f32 $1.000000000e+00, v1;
	(erf) = vrcp.f32 v19  }
0x192: {  	v4 =	vld.idx.msk [tilespmem:v4+s15+$0x0], $0xffff;
	v8 =	vpop (erf)  }
0x193: {  	v9 =	vld.idx.msk [tilespmem:v10+s14+$0x0], $0xffff;
	(erf) = vpow2.f32 v0;
	v0 =	vadd.f32 $1.000000000e+00, v8;
	v8 =	vpop (erf)  }
0x194: {  	v7 =	vld.idx.msk [tilespmem:v7+s15+$0x0], $0xffff;
	v8 =	vmax.f32 v8, $9.999999740e-06;
	(erf) = vrcp.f32 v1  }
0x195: {  	v1 =	vld.idx.msk [tilespmem:v11+s14+$0x0], $0xffff;
	v18 =	vmin.f32 v8, $9.999899860e-01;
	v10 =	vpop (erf);
	(erf) = vrcp.f32 v0  }
0x196: {  	v11 =	vld.idx.msk [tilespmem:v2+s15+$0x0], $0xffff;
	[tilespmem:s26+$0xFFFFFFA0] =	vst v18;
	v0 =	vmax.f32 v10, $9.999999740e-06  }
0x197: {  	v16 =	vld.idx.msk [tilespmem:v16+s14+$0x0], $0xffff;
	v2 =	vmin.f32 v0, $9.999899860e-01;
	v8 =	vpop (erf)  }
0x198: {  	v4 =	vadd.f32 v4, v3;
	v0 =	vld.idx.msk [tilespmem:v12+s14+$0x0], $0xffff;
	[tilespmem:s26+$0xFFFFFFB0] =	vst v2;
	v2 =	vmax.f32 v8, $9.999999740e-06  }
.Ltmp2:
0x199: {  	v3 =	vld.idx.msk [tilespmem:v5+s15+$0x0], $0xffff;
	v12 =	vmin.f32 v2, $9.999899860e-01;
	v8 =	vpop (erf);
	(pc) =	sbr.rel @p0 .LBB2_6-.Ltmp2, $4  }
0x19a: {  	v10 =	vsub.f32 $0.0e+00, v4;
	v7 =	vadd.f32 v7, v9;
	v2 =	vld.idx.msk [tilespmem:v6+s14+$0x0], $0xffff;
	v6 =	vmax.f32 v8, $9.999999740e-06;
	[tilespmem:s26+$0xFFFFFFC0] =	vst v12;
	v5 =	vpop (erf)  }
0x19b: {  	v4 =	vld.idx.msk [tilespmem:v14+s15+$0x0], $0xffff;
	v6 =	vmin.f32 v6, $9.999899860e-01;
	v14 =	vmax.f32 v5, $9.999999740e-06  }
0x19c: {  	v8 =	vmul.f32 $1.442695020e+00, v10;
	v9 =	vsub.f32 $0.0e+00, v7;
	v10 =	vadd.f32 v11, v1;
	v5 =	vld.idx.msk [tilespmem:v13+s14+$0x0], $0xffff;
	v1 =	vpop (erf);
	[tilespmem:s26+$0xFFFFFF90] =	vst v6  }
0x19d: {  	s29 =	sadd.s32 $0x100, s29;
	v11 =	vadd.f32 v17, v16;
	v6 =	vmin.f32 v14, $9.999899860e-01;
	v7 =	vld.idx.msk [tilespmem:v15+s15+$0x0], $0xffff;
	v12 =	vadd.f32 $1.000000000e+00, v1;
	v1 =	vpop (erf)  }
0x19e: {  	_ = 	snop  }
0x19f: {  	v9 =	vmul.f32 $1.442695020e+00, v9  }
0x1a0: {  	v10 =	vsub.f32 $0.0e+00, v10;
	(erf) = vpow2.f32 v8;
	v0 =	vadd.f32 v3, v0  }
0x1a1: {  	v3 =	vsub.f32 $0.0e+00, v11;
	(erf) = vrcp.f32 v12;
	v2 =	vadd.f32 v4, v2  }
0x1a2: {  	v4 =	vmul.f32 $1.442695020e+00, v10;
	v0 =	vsub.f32 $0.0e+00, v0;
	v5 =	vadd.f32 v7, v5  }
0x1a3: {  	(erf) = vpow2.f32 v9;
	v3 =	vmul.f32 $1.442695020e+00, v3  }
0x1a4: {  	(erf) = vpow2.f32 v4;
	v0 =	vmul.f32 $1.442695020e+00, v0;
	v4 =	vsub.f32 $0.0e+00, v5  }
0x1a5: {  	v2 =	vsub.f32 $0.0e+00, v2;
	(erf) = vpow2.f32 v3  }
0x1a6: {  	(erf) = vpow2.f32 v0;
	v0 =	vmul.f32 $1.442695020e+00, v4  }
0x1a7: {  	v2 =	vmul.f32 $1.442695020e+00, v2;
	_ =	sdelay $0x1  }
0x1a8: {  	(erf) = vpow2.f32 v2  }
0x1a9: {  	(erf) = vpow2.f32 v0;
	v0 =	vpop (erf)  }
0x1aa: {  	v2 =	vpop (erf)  }
0x1ab: {  	v3 =	vpop (erf)  }
0x1ac: {  	v2 =	vadd.f32 $1.000000000e+00, v2;
	v4 =	vpop (erf)  }
0x1ad: {  	v4 =	vadd.f32 $1.000000000e+00, v4;
	v5 =	vpop (erf)  }
0x1ae: {  	(erf) = vrcp.f32 v2;
	v2 =	vadd.f32 $1.000000000e+00, v5;
	v5 =	vpop (erf)  }
0x1af: {  	(erf) = vrcp.f32 v4;
	v4 =	vadd.f32 $1.000000000e+00, v5;
	v5 =	vpop (erf)  }
0x1b0: {  	(erf) = vrcp.f32 v2;
	v2 =	vadd.f32 $1.000000000e+00, v5  }
0x1b1: {  	v5 =	vpop (erf);
	(erf) = vrcp.f32 v4  }
0x1b2: {  	v4 =	vadd.f32 $1.000000000e+00, v5;
	v5 =	vpop (erf);
	(erf) = vrcp.f32 v2  }
0x1b3: {  	v2 =	vadd.f32 $1.000000000e+00, v5;
	_ =	sdelay $0x1  }
0x1b4: {  	v1 =	vmax.f32 v1, $9.999999740e-06;
	(erf) = vrcp.f32 v4  }
0x1b5: {  	v1 =	vmin.f32 v1, $9.999899860e-01;
	v0 =	vmax.f32 v0, $9.999999740e-06;
	(erf) = vrcp.f32 v2  }
0x1b6: {  	[tilespmem:s26+$0xFFFFFFE0] =	vst v1;
	v0 =	vmin.f32 v0, $9.999899860e-01;
	v1 =	vmax.f32 v3, $9.999999740e-06;
	v2 =	vpop (erf)  }
0x1b7: {  	s31 =	sadd.s32 $0x80, s26;
	[tilespmem:s26+$0xFFFFFFF0] =	vst v0;
	v0 =	vmin.f32 v1, $9.999899860e-01;
	v1 =	vmax.f32 v2, $9.999999740e-06;
	v2 =	vpop (erf)  }
0x1b8: {  	[tilespmem:s31+$0x0] =	vst v0;
	v0 =	vmin.f32 v1, $9.999899860e-01;
	v1 =	vmax.f32 v2, $9.999999740e-06;
	v2 =	vpop (erf)  }
0x1b9: {  	[tilespmem:s31+$0xFFFFFFA0] =	vst v0;
	v0 =	vmin.f32 v1, $9.999899860e-01;
	v1 =	vmax.f32 v2, $9.999999740e-06;
	v2 =	vpop (erf)  }
0x1ba: {  	[tilespmem:s31+$0xFFFFFFB0] =	vst v0;
	v0 =	vmin.f32 v1, $9.999899860e-01;
	v1 =	vmax.f32 v2, $9.999999740e-06;
	v2 =	vpop (erf)  }
0x1bb: {  	[tilespmem:s31+$0xFFFFFFC0] =	vst v0;
	v0 =	vmin.f32 v1, $9.999899860e-01;
	v1 =	vmax.f32 v2, $9.999999740e-06;
	_ =	sdelay $0x1  }
0x1bc: {  	[tilespmem:s26+$0xFFFFFFD0] =	vst v6;
	v2 =	vpop (erf)  }
0x1bd: {  	[tilespmem:s31+$0xFFFFFF90] =	vst v0;
	v0 =	vmin.f32 v1, $9.999899860e-01;
	v2 =	vmax.f32 v2, $9.999999740e-06;
	v1 =	vpop (erf)  }
0x1be: {  	[tilespmem:s31+$0xFFFFFFD0] =	vst v0;
	v0 =	vmax.f32 v1, $9.999999740e-06;
	v1 =	vmin.f32 v2, $9.999899860e-01  }
0x1bf: {  	v0 =	vmin.f32 v0, $9.999899860e-01;
	[tilespmem:s31+$0xFFFFFFE0] =	vst v1  }
0x1c0: {  	[tilespmem:s31+$0xFFFFFFF0] =	vst v0  }
0x1c1: {  	[hbm4b:s11+s2] =	stream.linear.scatter [tilespmem:s22], [sflag:$0x2], $0xC80, $0x38;
	[tilespmem:$0xC800] =	vst v63  }
0x1c2: {  	_ =	swait.ge [sflag:s19], $0x1900  }
0x1c3: {  	[sflag:s19] =	ssyncset.done $0x0  }
0x1c4: {  	s30 =	simm.s32 $0x37F0;
	[sflag:s19] =	ssyncadd.s32 $0xFFFFE700  }
0x1c5: {  	v0 =	vld [tilespmem:s30+$0xFFFFFF80]  }
0x1c6: {  	v1 =	vld [tilespmem:s30+$0x0]  }
0x1c7: {  	v2 =	vld [tilespmem:s30+$0xFFFFFF90]  }
0x1c8: {  	v3 =	vld [tilespmem:s30+$0xFFFFFF20]  }
0x1c9: {  	v4 =	vld [tilespmem:s30+$0xFFFFFFA0]  }
0x1ca: {  	v5 =	vld [tilespmem:s30+$0xFFFFFF30]  }
0x1cb: {  	v6 =	vld [tilespmem:s30+$0xFFFFFFB0]  }
0x1cc: {  	v7 =	vld [tilespmem:s30+$0xFFFFFF40]  }
0x1cd: {  	v8 =	vld [tilespmem:s30+$0xFFFFFFC0]  }
0x1ce: {  	v0 =	vld.idx.msk [tilespmem:v0+s14+$0x0], $0xffff  }
0x1cf: {  	v1 =	vld.idx.msk [tilespmem:v1+s15+$0x0], $0xffff  }
0x1d0: {  	v9 =	vld [tilespmem:s30+$0xFFFFFF50]  }
0x1d1: {  	v10 =	vld [tilespmem:s30+$0xFFFFFFD0]  }
0x1d2: {  	v11 =	vld [tilespmem:s30+$0xFFFFFF60]  }
0x1d3: {  	v12 =	vld [tilespmem:s30+$0xFFFFFFE0]  }
0x1d4: {  	v13 =	vld [tilespmem:s30+$0xFFFFFF70];
	v0 =	vadd.f32 v1, v0  }
0x1d5: {  	v14 =	vld [tilespmem:s30+$0xFFFFFF10]  }
0x1d6: {  	v2 =	vld.idx.msk [tilespmem:v2+s15+$0x0], $0xffff;
	v0 =	vsub.f32 $0.0e+00, v0  }
0x1d7: {  	v3 =	vld.idx.msk [tilespmem:v3+s14+$0x0], $0xffff  }
0x1d8: {  	v4 =	vld.idx.msk [tilespmem:v4+s15+$0x0], $0xffff;
	v0 =	vmul.f32 $1.442695020e+00, v0  }
0x1d9: {  	v5 =	vld.idx.msk [tilespmem:v5+s14+$0x0], $0xffff  }
0x1da: {  	v1 =	vld [tilespmem:s30+$0xFFFFFFF0];
	(erf) = vpow2.f32 v0  }
0x1db: {  	v0 =	vld.idx.msk [tilespmem:v6+s15+$0x0], $0xffff  }
0x1dc: {  	v6 =	vld.idx.msk [tilespmem:v7+s14+$0x0], $0xffff  }
0x1dd: {  	v7 =	vld.idx.msk [tilespmem:v8+s15+$0x0], $0xffff  }
0x1de: {  	v8 =	vld.idx.msk [tilespmem:v14+s14+$0x0], $0xffff  }
0x1df: {  	v9 =	vld.idx.msk [tilespmem:v9+s14+$0x0], $0xffff;
	v3 =	vadd.f32 v4, v3  }
0x1e0: {  	v10 =	vld.idx.msk [tilespmem:v10+s15+$0x0], $0xffff  }
0x1e1: {  	v4 =	vld.idx.msk [tilespmem:v11+s14+$0x0], $0xffff;
	v3 =	vsub.f32 $0.0e+00, v3;
	v0 =	vadd.f32 v0, v5  }
0x1e2: {  	v5 =	vld.idx.msk [tilespmem:v12+s15+$0x0], $0xffff;
	v6 =	vadd.f32 v7, v6  }
0x1e3: {  	v3 =	vmul.f32 $1.442695020e+00, v3;
	v2 =	vadd.f32 v2, v8;
	v0 =	vsub.f32 $0.0e+00, v0;
	v7 =	vpop (erf)  }
0x1e4: {  	v11 =	vld.idx.msk [tilespmem:v13+s14+$0x0], $0xffff;
	v7 =	vadd.f32 $1.000000000e+00, v7  }
0x1e5: {  	s31 =	simm.s32 $0x38F0;
	(erf) = vpow2.f32 v3;
	v1 =	vld.idx.msk [tilespmem:v1+s15+$0x0], $0xffff;
	v2 =	vsub.f32 $0.0e+00, v2;
	v0 =	vmul.f32 $1.442695020e+00, v0  }
0x1e6: {  	v9 =	vadd.f32 v10, v9;
	v8 =	vld [tilespmem:s31+$0xFFFFFF80];
	v6 =	vsub.f32 $0.0e+00, v6;
	(erf) = vrcp.f32 v7  }
0x1e7: {  	v12 =	vld [tilespmem:s31+$0x0];
	(erf) = vpow2.f32 v0;
	v0 =	vmul.f32 $1.442695020e+00, v2;
	v2 =	vadd.f32 v5, v4  }
0x1e8: {  	v9 =	vsub.f32 $0.0e+00, v9;
	v6 =	vmul.f32 $1.442695020e+00, v6  }
0x1e9: {  	v15 =	vld [tilespmem:s31+$0xFFFFFF60];
	v2 =	vsub.f32 $0.0e+00, v2  }
0x1ea: {  	v16 =	vld [tilespmem:s31+$0xFFFFFFE0];
	(erf) = vpow2.f32 v6;
	v6 =	vmul.f32 $1.442695020e+00, v9  }
0x1eb: {  	v13 =	vld [tilespmem:s31+$0xFFFFFFD0];
	(erf) = vpow2.f32 v0;
	v2 =	vmul.f32 $1.442695020e+00, v2  }
0x1ec: {  	v3 =	vld [tilespmem:s31+$0xFFFFFF90];
	v1 =	vadd.f32 v1, v11;
	(erf) = vpow2.f32 v6  }
0x1ed: {  	v7 =	vld [tilespmem:s31+$0xFFFFFF20];
	(erf) = vpow2.f32 v2  }
0x1ee: {  	v1 =	vsub.f32 $0.0e+00, v1;
	v6 =	vld.idx.msk [tilespmem:v8+s14+$0x0], $0xffff  }
0x1ef: {  	v8 =	vld.idx.msk [tilespmem:v12+s15+$0x0], $0xffff  }
0x1f0: {  	v10 =	vpop (erf);
	v1 =	vmul.f32 $1.442695020e+00, v1;
	v4 =	vld [tilespmem:s31+$0xFFFFFFA0]  }
0x1f1: {  	v11 =	vld [tilespmem:s31+$0xFFFFFF50];
	v12 =	vpop (erf)  }
0x1f2: {  	v5 =	vld [tilespmem:s31+$0xFFFFFF30];
	(erf) = vpow2.f32 v1;
	v14 =	vpop (erf)  }
0x1f3: {  	v10 =	vadd.f32 $1.000000000e+00, v10;
	v0 =	vld [tilespmem:s31+$0xFFFFFF40];
	v1 =	vadd.f32 $1.000000000e+00, v14;
	v14 =	vpop (erf)  }
0x1f4: {  	v18 =	vld.idx.msk [tilespmem:v3+s15+$0x0], $0xffff;
	v6 =	vadd.f32 v8, v6;
	v8 =	vpop (erf)  }
0x1f5: {  	v9 =	vld [tilespmem:s31+$0xFFFFFFB0];
	(erf) = vrcp.f32 v10;
	v10 =	vadd.f32 $1.000000000e+00, v14;
	v17 =	vpop (erf)  }
0x1f6: {  	v2 =	vld [tilespmem:s31+$0xFFFFFFC0];
	v6 =	vsub.f32 $0.0e+00, v6;
	(erf) = vrcp.f32 v1;
	v8 =	vadd.f32 $1.000000000e+00, v8;
	v3 =	vpop (erf)  }
0x1f7: {  	v7 =	vld.idx.msk [tilespmem:v7+s14+$0x0], $0xffff;
	(erf) = vrcp.f32 v10;
	v17 =	vadd.f32 $1.000000000e+00, v17;
	v3 =	vadd.f32 $1.000000000e+00, v3  }
0x1f8: {  	v4 =	vld.idx.msk [tilespmem:v4+s15+$0x0], $0xffff;
	v6 =	vmul.f32 $1.442695020e+00, v6;
	(erf) = vrcp.f32 v8  }
0x1f9: {  	v10 =	vld [tilespmem:s31+$0xFFFFFF10];
	(erf) = vrcp.f32 v17  }
0x1fa: {  	v5 =	vld.idx.msk [tilespmem:v5+s14+$0x0], $0xffff;
	(erf) = vpow2.f32 v6  }
0x1fb: {  	v63 =	vld.idx.msk [tilespmem:v0+s14+$0x0], $0xffff;
	(erf) = vrcp.f32 v3;
	v3 =	vpop (erf)  }
0x1fc: {  	v14 =	vld [tilespmem:s31+$0xFFFFFF70];
	v3 =	vadd.f32 $1.000000000e+00, v3  }
0x1fd: {  	v8 =	vmax.f32 v12, $9.999999740e-06;
	v6 =	vld.idx.msk [tilespmem:v9+s15+$0x0], $0xffff  }
0x1fe: {  	v1 =	vld [tilespmem:s31+$0xFFFFFFF0];
	(erf) = vrcp.f32 v3  }
0x1ff: {  	s26 =	simm.s32 $0x6BF0;
	v12 =	vld.idx.msk [tilespmem:v2+s15+$0x0], $0xffff;
	v2 =	vmin.f32 v8, $9.999899860e-01;
	v0 =	vpop (erf)  }
0x200: {  	[tilespmem:s26+$0x0] =	vst v2;
	v2 =	vld.idx.msk [tilespmem:v15+s14+$0x0], $0xffff;
	v8 =	vpop (erf)  }
0x201: {  	v4 =	vadd.f32 v4, v7;
	v19 =	vld.idx.msk [tilespmem:v10+s14+$0x0], $0xffff;
	v0 =	vmax.f32 v0, $9.999999740e-06;
	v8 =	vmax.f32 v8, $9.999999740e-06;
	v7 =	vpop (erf)  }
0x202: {  	v5 =	vadd.f32 v6, v5;
	v9 =	vmin.f32 v0, $9.999899860e-01;
	v0 =	vld.idx.msk [tilespmem:v11+s14+$0x0], $0xffff;
	v8 =	vmin.f32 v8, $9.999899860e-01;
	v10 =	vpop (erf)  }
0x203: {  	v3 =	vld.idx.msk [tilespmem:v13+s15+$0x0], $0xffff;
	v7 =	vmax.f32 v7, $9.999999740e-06;
	[tilespmem:s26+$0xFFFFFFA0] =	vst v9;
	v9 =	vsub.f32 $0.0e+00, v4;
	v6 =	vmax.f32 v10, $9.999999740e-06;
	v10 =	vpop (erf)  }
0x204: {  	v4 =	vld.idx.msk [tilespmem:v16+s15+$0x0], $0xffff;
	[tilespmem:s26+$0xFFFFFFB0] =	vst v8;
	v7 =	vmin.f32 v7, $9.999899860e-01;
	v6 =	vmin.f32 v6, $9.999899860e-01;
	v13 =	vmax.f32 v10, $9.999999740e-06  }
0x205: {  	[tilespmem:s26+$0xFFFFFFC0] =	vst v7;
	v8 =	vmul.f32 $1.442695020e+00, v9;
	v9 =	vsub.f32 $0.0e+00, v5;
	v10 =	vadd.f32 v12, v63;
	v5 =	vld.idx.msk [tilespmem:v14+s14+$0x0], $0xffff;
	v12 =	vpop (erf)  }
0x206: {  	s28 =	simm.s32 $0x1C00;
	s29 =	simm.s32 $0x39F0;
	v11 =	vadd.f32 v18, v19;
	v7 =	vld.idx.msk [tilespmem:v1+s15+$0x0], $0xffff;
	[tilespmem:s26+$0xFFFFFF90] =	vst v6;
	v12 =	vadd.f32 $1.000000000e+00, v12;
	v6 =	vmin.f32 v13, $9.999899860e-01;
	v1 =	vpop (erf)  }
.LBB2_8:
0x207: {  	v13 =	vld [tilespmem:s29+$0xFFFFFF80];
	v9 =	vmul.f32 $1.442695020e+00, v9;
	v10 =	vsub.f32 $0.0e+00, v10;
	(erf) = vpow2.f32 v8;
	[tilespmem:s26+$0xFFFFFFD0] =	vst v6;
	v6 =	vpop (erf)  }
0x208: {  	s28 =	sadd.s32 $0x80, s28;
	v0 =	vadd.f32 v3, v0;
	v8 =	vld [tilespmem:s29+$0x0];
	v11 =	vsub.f32 $0.0e+00, v11;
	(erf) = vrcp.f32 v12  }
0x209: {  	p0 =	slt.u32 s28, $0x2780;
	v3 =	vld [tilespmem:s29+$0xFFFFFF90];
	v10 =	vmul.f32 $1.442695020e+00, v10;
	(erf) = vpow2.f32 v9  }
0x20a: {  	v0 =	vsub.f32 $0.0e+00, v0;
	v2 =	vadd.f32 v4, v2;
	v9 =	vld [tilespmem:s29+$0xFFFFFF20];
	v11 =	vmul.f32 $1.442695020e+00, v11  }
0x20b: {  	v1 =	vmax.f32 v1, $9.999999740e-06;
	v6 =	vmax.f32 v6, $9.999999740e-06;
	v4 =	vld [tilespmem:s29+$0xFFFFFFA0];
	(erf) = vpow2.f32 v10  }
0x20c: {  	v0 =	vmul.f32 $1.442695020e+00, v0;
	v2 =	vsub.f32 $0.0e+00, v2;
	v5 =	vadd.f32 v7, v5;
	v10 =	vld [tilespmem:s29+$0xFFFFFF30]  }
0x20d: {  	v1 =	vmin.f32 v1, $9.999899860e-01;
	v6 =	vmin.f32 v6, $9.999899860e-01;
	v7 =	vld [tilespmem:s29+$0xFFFFFFB0];
	(erf) = vpow2.f32 v11  }
0x20e: {  	v2 =	vmul.f32 $1.442695020e+00, v2;
	v5 =	vsub.f32 $0.0e+00, v5;
	v11 =	vld [tilespmem:s29+$0xFFFFFF40];
	(erf) = vpow2.f32 v0;
	[tilespmem:s26+$0xFFFFFFE0] =	vst v1  }
0x20f: {  	v0 =	vld.idx.msk [tilespmem:v13+s14+$0x0], $0xffff;
	[tilespmem:s26+$0xFFFFFFF0] =	vst v6  }
0x210: {  	v5 =	vmul.f32 $1.442695020e+00, v5;
	v1 =	vld.idx.msk [tilespmem:v8+s15+$0x0], $0xffff;
	v6 =	vpop (erf);
	(erf) = vpow2.f32 v2  }
0x211: {  	v2 =	vld [tilespmem:s29+$0xFFFFFFC0];
	v6 =	vadd.f32 $1.000000000e+00, v6;
	v8 =	vpop (erf)  }
0x212: {  	v12 =	vld [tilespmem:s29+$0xFFFFFF50];
	v15 =	vmax.f32 v8, $9.999999740e-06;
	v13 =	vpop (erf);
	(erf) = vpow2.f32 v5  }
0x213: {  	s26 =	sadd.s32 $0x80, s26;
	v5 =	vld [tilespmem:s29+$0xFFFFFFD0];
	v13 =	vadd.f32 $1.000000000e+00, v13;
	v14 =	vmin.f32 v15, $9.999899860e-01;
	(erf) = vrcp.f32 v6  }
0x214: {  	v6 =	vld [tilespmem:s29+$0xFFFFFF60];
	[tilespmem:s26+$0x0] =	vst v14;
	v8 =	vpop (erf)  }
0x215: {  	v14 =	vld [tilespmem:s29+$0xFFFFFFE0];
	v16 =	vadd.f32 $1.000000000e+00, v8;
	(erf) = vrcp.f32 v13  }
0x216: {  	v0 =	vadd.f32 v1, v0;
	v13 =	vld [tilespmem:s29+$0xFFFFFF70];
	v1 =	vpop (erf)  }
0x217: {  	v15 =	vld [tilespmem:s29+$0xFFFFFFF0];
	v18 =	vadd.f32 $1.000000000e+00, v1;
	(erf) = vrcp.f32 v16;
	v8 =	vpop (erf)  }
0x218: {  	v0 =	vsub.f32 $0.0e+00, v0;
	v16 =	vld [tilespmem:s29+$0xFFFFFF10];
	v19 =	vadd.f32 $1.000000000e+00, v8  }
0x219: {  	v17 =	vld.idx.msk [tilespmem:v3+s15+$0x0], $0xffff;
	(erf) = vrcp.f32 v18;
	v1 =	vpop (erf)  }
0x21a: {  	v0 =	vmul.f32 $1.442695020e+00, v0;
	v3 =	vld.idx.msk [tilespmem:v9+s14+$0x0], $0xffff;
	v1 =	vadd.f32 $1.000000000e+00, v1;
	(erf) = vrcp.f32 v19  }
0x21b: {  	v4 =	vld.idx.msk [tilespmem:v4+s15+$0x0], $0xffff;
	v8 =	vpop (erf)  }
0x21c: {  	v9 =	vld.idx.msk [tilespmem:v10+s14+$0x0], $0xffff;
	(erf) = vpow2.f32 v0;
	v0 =	vadd.f32 $1.000000000e+00, v8;
	v8 =	vpop (erf)  }
0x21d: {  	v7 =	vld.idx.msk [tilespmem:v7+s15+$0x0], $0xffff;
	v8 =	vmax.f32 v8, $9.999999740e-06;
	(erf) = vrcp.f32 v1  }
0x21e: {  	v1 =	vld.idx.msk [tilespmem:v11+s14+$0x0], $0xffff;
	v18 =	vmin.f32 v8, $9.999899860e-01;
	v10 =	vpop (erf);
	(erf) = vrcp.f32 v0  }
0x21f: {  	v11 =	vld.idx.msk [tilespmem:v2+s15+$0x0], $0xffff;
	[tilespmem:s26+$0xFFFFFFA0] =	vst v18;
	v0 =	vmax.f32 v10, $9.999999740e-06  }
0x220: {  	v16 =	vld.idx.msk [tilespmem:v16+s14+$0x0], $0xffff;
	v2 =	vmin.f32 v0, $9.999899860e-01;
	v8 =	vpop (erf)  }
0x221: {  	v4 =	vadd.f32 v4, v3;
	v0 =	vld.idx.msk [tilespmem:v12+s14+$0x0], $0xffff;
	[tilespmem:s26+$0xFFFFFFB0] =	vst v2;
	v2 =	vmax.f32 v8, $9.999999740e-06  }
.Ltmp3:
0x222: {  	v3 =	vld.idx.msk [tilespmem:v5+s15+$0x0], $0xffff;
	v12 =	vmin.f32 v2, $9.999899860e-01;
	v8 =	vpop (erf);
	(pc) =	sbr.rel @p0 .LBB2_8-.Ltmp3, $4  }
0x223: {  	v10 =	vsub.f32 $0.0e+00, v4;
	v7 =	vadd.f32 v7, v9;
	v2 =	vld.idx.msk [tilespmem:v6+s14+$0x0], $0xffff;
	v6 =	vmax.f32 v8, $9.999999740e-06;
	[tilespmem:s26+$0xFFFFFFC0] =	vst v12;
	v5 =	vpop (erf)  }
0x224: {  	v4 =	vld.idx.msk [tilespmem:v14+s15+$0x0], $0xffff;
	v6 =	vmin.f32 v6, $9.999899860e-01;
	v14 =	vmax.f32 v5, $9.999999740e-06  }
0x225: {  	v8 =	vmul.f32 $1.442695020e+00, v10;
	v9 =	vsub.f32 $0.0e+00, v7;
	v10 =	vadd.f32 v11, v1;
	v5 =	vld.idx.msk [tilespmem:v13+s14+$0x0], $0xffff;
	v1 =	vpop (erf);
	[tilespmem:s26+$0xFFFFFF90] =	vst v6  }
0x226: {  	s29 =	sadd.s32 $0x100, s29;
	v11 =	vadd.f32 v17, v16;
	v6 =	vmin.f32 v14, $9.999899860e-01;
	v7 =	vld.idx.msk [tilespmem:v15+s15+$0x0], $0xffff;
	v12 =	vadd.f32 $1.000000000e+00, v1;
	v1 =	vpop (erf)  }
0x227: {  	_ = 	snop  }
0x228: {  	v9 =	vmul.f32 $1.442695020e+00, v9  }
0x229: {  	v10 =	vsub.f32 $0.0e+00, v10;
	(erf) = vpow2.f32 v8;
	v0 =	vadd.f32 v3, v0  }
0x22a: {  	v25 =	vsub.f32 $0.0e+00, v11;
	(erf) = vrcp.f32 v12;
	v2 =	vadd.f32 v4, v2  }
0x22b: {  	v26 =	vmul.f32 $1.442695020e+00, v10;
	v0 =	vsub.f32 $0.0e+00, v0;
	v5 =	vadd.f32 v7, v5  }
0x22c: {  	(erf) = vpow2.f32 v9;
	v3 =	vmul.f32 $1.442695020e+00, v25;
	v2 =	vsub.f32 $0.0e+00, v2  }
0x22d: {  	(erf) = vpow2.f32 v26;
	v0 =	vmul.f32 $1.442695020e+00, v0;
	v27 =	vsub.f32 $0.0e+00, v5  }
0x22e: {  	(erf) = vpow2.f32 v3;
	v2 =	vmul.f32 $1.442695020e+00, v2  }
0x22f: {  	(erf) = vpow2.f32 v0;
	v28 =	vmul.f32 $1.442695020e+00, v27  }
0x230: {  	(erf) = vpow2.f32 v2  }
0x231: {  	(erf) = vpow2.f32 v28  }
0x232: {  	v29 =	vpop (erf)  }
0x233: {  	v30 =	vpop (erf)  }
0x234: {  	v31 =	vpop (erf)  }
0x235: {  	v2 =	vadd.f32 $1.000000000e+00, v30;
	v32 =	vpop (erf)  }
0x236: {  	v4 =	vadd.f32 $1.000000000e+00, v32;
	v33 =	vpop (erf)  }
0x237: {  	(erf) = vrcp.f32 v2;
	v34 =	vadd.f32 $1.000000000e+00, v33;
	v35 =	vpop (erf)  }
0x238: {  	(erf) = vrcp.f32 v4;
	v36 =	vadd.f32 $1.000000000e+00, v35;
	v37 =	vpop (erf)  }
0x239: {  	(erf) = vrcp.f32 v34;
	v38 =	vadd.f32 $1.000000000e+00, v37;
	v39 =	vpop (erf)  }
0x23a: {  	(erf) = vrcp.f32 v36;
	v40 =	vadd.f32 $1.000000000e+00, v39;
	v41 =	vpop (erf)  }
0x23b: {  	(erf) = vrcp.f32 v38;
	v42 =	vadd.f32 $1.000000000e+00, v41  }
0x23c: {  	(erf) = vrcp.f32 v40  }
0x23d: {  	(erf) = vrcp.f32 v42  }
0x23e: {  	v1 =	vmax.f32 v1, $9.999999740e-06  }
0x23f: {  	[tilespmem:s26+$0xFFFFFFD0] =	vst v6;
	v1 =	vmin.f32 v1, $9.999899860e-01;
	v0 =	vmax.f32 v29, $9.999999740e-06  }
0x240: {  	[tilespmem:s26+$0xFFFFFFE0] =	vst v1;
	v0 =	vmin.f32 v0, $9.999899860e-01;
	v44 =	vmax.f32 v31, $9.999999740e-06;
	v43 =	vpop (erf)  }
0x241: {  	s31 =	sadd.s32 $0x80, s26;
	[tilespmem:s26+$0xFFFFFFF0] =	vst v0;
	v45 =	vmin.f32 v44, $9.999899860e-01;
	v46 =	vmax.f32 v43, $9.999999740e-06;
	v47 =	vpop (erf)  }
0x242: {  	[tilespmem:s31+$0x0] =	vst v45;
	v48 =	vmin.f32 v46, $9.999899860e-01;
	v49 =	vmax.f32 v47, $9.999999740e-06;
	v50 =	vpop (erf)  }
0x243: {  	[tilespmem:s31+$0xFFFFFFA0] =	vst v48;
	v51 =	vmin.f32 v49, $9.999899860e-01;
	v52 =	vmax.f32 v50, $9.999999740e-06;
	v53 =	vpop (erf)  }
0x244: {  	[tilespmem:s31+$0xFFFFFFB0] =	vst v51;
	v54 =	vmin.f32 v52, $9.999899860e-01;
	v55 =	vmax.f32 v53, $9.999999740e-06;
	v56 =	vpop (erf)  }
0x245: {  	[tilespmem:s31+$0xFFFFFFC0] =	vst v54;
	v57 =	vmin.f32 v55, $9.999899860e-01;
	v58 =	vmax.f32 v56, $9.999999740e-06;
	v59 =	vpop (erf)  }
0x246: {  	[tilespmem:s31+$0xFFFFFF90] =	vst v57;
	v60 =	vmin.f32 v58, $9.999899860e-01;
	v2 =	vmax.f32 v59, $9.999999740e-06;
	v61 =	vpop (erf)  }
0x247: {  	[tilespmem:s31+$0xFFFFFFD0] =	vst v60;
	v63 =	vmin.f32 v2, $9.999899860e-01;
	v62 =	vmax.f32 v61, $9.999999740e-06  }
0x248: {  	[tilespmem:s31+$0xFFFFFFE0] =	vst v63;
	v0 =	vmin.f32 v62, $9.999899860e-01  }
0x249: {  	[tilespmem:s31+$0xFFFFFFF0] =	vst v0  }
0x24a: {  	[hbm4b:s12+s2] =	stream.linear.scatter [tilespmem:s23], [sflag:$0x2], $0xC80, $0x38;
	[tilespmem:$0xC800] =	vst v63  }
0x24b: {  	_ =	swait.ge [sflag:s24], $0x500  }
0x24c: {  	[sflag:s24] =	ssyncset.done $0x0  }
0x24d: {  	[sflag:s24] =	ssyncadd.s32 $0xFFFFFB00  }
0x24e: {  	_ =	swait.ge [sflag:s24], $0xA00  }
0x24f: {  	[sflag:s24] =	ssyncset.done $0x0  }
0x250: {  	s25 =	sadd.s32 $0x1, s25;
	[sflag:s24] =	ssyncadd.s32 $0xFFFFF600  }
0x251: {  	p0 =	sne.s32 s25, s13;
	_ =	swait.ge [sflag:s24], $0xC80  }
.Ltmp4:
0x252: {  	[sflag:s24] =	ssyncset.done $0x0;
	(pc) =	sbr.rel @p0 .LBB2_1-.Ltmp4, $4  }
0x253: {  	[sflag:s24] =	ssyncadd.s32 $0xFFFFF380  }
0x254: {  	_ =	swait.ge [sflag:s24], $0xC80  }
0x255: {  	[sflag:s24] =	ssyncset.done $0x0  }
0x256: {  	[sflag:s24] =	ssyncadd.s32 $0xFFFFF380  }
0x257: {  	_ =	sfence.sel $0x180000  }
0x258: {  	[bflag:$0x0] =	sbarrier.arrive $0xFFFF  }
0x259: {  	p0 =	sne.s32 s0, $0x0;
	_ =	strace $0x90000047  }
0x25a: {  	s0 =	sadd.s32 @!p0 $0x100000, s1;
	[bflag:$0x2] =	sbarrier.arrive $0xFFFF  }
0x25b: {  	[sflag:s0] =	ssyncadd.tile.s32 @!p0 $0x1;
	_ =	shalt  }
.Lfunc_end2:
_tile_overlayer_lowered:
.L_overlay_start_2:
0x25c: {  	(tag) =	ssettag $0x2  }
0x25d: {  	s0 =	rddreg [dreg:$0x0];
	s2 =	stileid.u32  }
0x25e: {  	s1 =	rddreg [dreg:$0x1];
	p0 =	sne.s32 s2, $0x0  }
0x25f: {  	s3 =	rddreg [dreg:$0x2];
	[bflag:$0x3] =	sbarrier.arrive $0xFFFF;
	s2 =	simm.s32 @!p0 $0x1C03  }
0x260: {  	[timem:s3], [sflag:s2] =	dma.local @!p0 [hbm:s0], s1  }
0x261: {  	s0 =	simm.s32 @!p0 $0x3  }
0x262: {  	_ =	swait.ge @!p0 [sflag:s0], s1  }
0x263: {  	s1 =	ssub.s32 @!p0 $0x0, s1;
	[sflag:s0] =	ssyncset.done @!p0 $0x0  }
0x264: {  	[sflag:s0] =	ssyncadd.s32 @!p0 s1  }
0x265: {  	[bflag:$0x3] =	sbarrier.arrive $0xFFFF  }
0x266: {  	_ =	shalt  }

</sc_bundles>
